<compile_context>
chip_gen: v7x
topology: tpu7x:2x2x1
jax: 0.10.2.dev20260603
libtpu: 0.0.44.dev20260713+nightly
codegen_flags: <defaults>
</compile_context>

<pallas_src>
import jax
import jax.numpy as jnp
from jax.experimental import pallas as pl
from jax.experimental.pallas import tpu as pltpu
from jax.experimental.pallas import tpu_sc as plsc

_B, _L, _DIM, _DQK = 4, 8192, 768, 128
_BLK = 512
_NB = _L // _BLK
_GW = 128


def _shift_down(arr, d, fill):
    row = jax.lax.broadcasted_iota(jnp.int32, arr.shape, 0)
    rolled = jnp.roll(arr, d, axis=0)
    return jnp.where(row < d, fill, rolled)


def _tc_body(tok_ref, w_ref, sk_ref, h_ref, src_ref, key_c, h_c, scal_c):
    b = pl.program_id(0)
    i = pl.program_id(1)

    @pl.when(i == 0)
    def _init():
        key_c[...] = jnp.broadcast_to(sk_ref[...], key_c.shape)
        h_c[...] = jnp.zeros_like(h_c)
        scal_c[0] = 0
        scal_c[1] = -1

    tok = tok_ref[0]
    qk = jnp.dot(tok, w_ref[...], preferred_element_type=jnp.float32)
    q = qk[:, :_DQK]
    k = qk[:, _DQK:]
    kprev = _shift_down(k, 1, 0.0)
    row = jax.lax.broadcasted_iota(jnp.int32, (_BLK, 1), 0)
    kprev = jnp.where(row == 0, key_c[0:1, :_DQK], kprev)

    nq = jnp.maximum(jnp.sqrt(jnp.sum(q * q, axis=1, keepdims=True)), 1e-8)
    nk = jnp.maximum(jnp.sqrt(jnp.sum(kprev * kprev, axis=1, keepdims=True)), 1e-8)
    cos = jnp.sum(q * kprev, axis=1, keepdims=True) / (nq * nk)
    probs = (1.0 - cos) * 0.5

    bnd = probs > 0.5
    bnd = jnp.logical_or(bnd, jnp.logical_and(i == 0, row == 0))

    g = jnp.where(bnd, 1.0 - probs, 1.0)
    x = jnp.where(bnd, probs, 0.0) * tok

    A, S = g, x
    cnt = bnd.astype(jnp.int32)
    d = 1
    while d < _BLK:
        S = A * _shift_down(S, d, 0.0) + S
        cnt = cnt + _shift_down(cnt, d, 0)
        A = A * _shift_down(A, d, 1.0)
        d *= 2

    h = S + A * h_c[0:1, :]
    h_ref[0] = h

    key_c[0:1, :_DQK] = k[_BLK - 1:_BLK, :]
    h_c[0:1, :] = h[_BLK - 1:_BLK, :]

    rank = cnt - 1
    j_iota = jax.lax.broadcasted_iota(jnp.int32, (1, _BLK), 1)
    M = jnp.logical_and(bnd, rank == j_iota).astype(jnp.float32)
    posf = b * _L + i * _BLK + j_iota
    hi = (posf >> 8).astype(jnp.float32)
    lo = (posf & 255).astype(jnp.float32)
    stacked = jnp.concatenate([hi, lo], axis=0)
    packed2 = jnp.dot(stacked, M, preferred_element_type=jnp.float32)
    packed = (packed2[0:1] * 256.0 + packed2[1:2] + 0.5).astype(jnp.int32)

    cnt_prev = scal_c[0]
    lane = jax.lax.broadcasted_iota(jnp.int32, (1, _L), 1)
    padded = jnp.pad(packed, ((0, 0), (0, _L - _BLK)))
    rotated = pltpu.roll(padded, cnt_prev, axis=1)
    in_window = jnp.logical_and(lane >= cnt_prev, lane < cnt_prev + _BLK)
    src_ref[0] = jnp.where(in_window, rotated, src_ref[0])

    pos_col = b * _L + i * _BLK + row
    blk_cnt = jnp.sum(bnd.astype(jnp.int32))
    last_blk = jnp.max(jnp.where(bnd, pos_col, -1))
    scal_c[0] = cnt_prev + blk_cnt
    scal_c[1] = jnp.maximum(scal_c[1], last_blk)

    @pl.when(i == _NB - 1)
    def _tail():
        kk = scal_c[0]
        last = scal_c[1]
        lane = jax.lax.broadcasted_iota(jnp.int32, (1, _L), 1)
        src_ref[0] = jnp.where(lane >= kk, last, src_ref[0])


def _tc_scan(tokens, W_qk, start_key, interpret=False):
    sk = start_key.reshape(1, _DQK)
    grid = (_B, _NB)
    h, src = pl.pallas_call(
        _tc_body,
        grid=grid,
        in_specs=[
            pl.BlockSpec((1, _BLK, _DIM), lambda b, i: (b, i, 0)),
            pl.BlockSpec((_DIM, 2 * _DQK), lambda b, i: (0, 0)),
            pl.BlockSpec((1, _DQK), lambda b, i: (0, 0)),
        ],
        out_specs=[
            pl.BlockSpec((1, _BLK, _DIM), lambda b, i: (b, i, 0)),
            pl.BlockSpec((1, 1, _L), lambda b, i: (b, 0, 0)),
        ],
        out_shape=[
            jax.ShapeDtypeStruct((_B, _L, _DIM), jnp.float32),
            jax.ShapeDtypeStruct((_B, 1, _L), jnp.int32),
        ],
        scratch_shapes=[
            pltpu.VMEM((8, _DQK), jnp.float32),
            pltpu.VMEM((8, _DIM), jnp.float32),
            pltpu.SMEM((4,), jnp.int32),
        ],
        interpret=interpret,
    )(tokens, W_qk, sk)
    return h, src.reshape(1, _B * _L)


_NW = 32
_RPW = (_B * _L) // _NW
_CH = 64
_NCH = _RPW // _CH


def _sc_gather(h_flat, src):
    n = _B * _L
    mesh = plsc.VectorSubcoreMesh(core_axis_name="c", subcore_axis_name="s")

    @pl.kernel(
        out_type=jax.ShapeDtypeStruct((n, _DIM), jnp.float32),
        scratch_types=[
            pltpu.VMEM((_NCH, _CH), jnp.int32),
            pltpu.VMEM((_CH, _DIM), jnp.float32),
            pltpu.SemaphoreType.DMA,
            pltpu.SemaphoreType.DMA,
        ],
        mesh=mesh,
    )
    def k(h_hbm, i_hbm, o_hbm, idx_all, rows_v, sg, sw):
        wid = jax.lax.axis_index("s") * 2 + jax.lax.axis_index("c")
        base = wid * _RPW
        pltpu.sync_copy(i_hbm.at[pl.ds(wid * _NCH, _NCH)], idx_all)

        def wait_wb(j, cc):
            pltpu.make_async_copy(
                rows_v, o_hbm.at[pl.ds(base, _CH)], sw).wait()
            return cc

        def body(c, carry):
            prev, nout = carry
            v0 = idx_all[c, pl.ds(0, 16)]
            v1 = idx_all[c, pl.ds(_CH - 16, 16)]
            lo = v0[0]
            hi = v1[15]
            is_const = lo == hi
            is_rep = jnp.logical_and(is_const, hi == prev)

            @pl.when(jnp.logical_not(is_rep))
            def _gather():
                jax.lax.fori_loop(0, nout, wait_wb, 0)
                pltpu.async_copy(h_hbm.at[idx_all.at[c]], rows_v, sg).wait()

            pltpu.async_copy(
                rows_v, o_hbm.at[pl.ds(base + c * _CH, _CH)], sw)
            nout2 = jnp.where(is_rep, nout + 1, 1)
            prev2 = jnp.where(is_const, hi, -1)
            return (prev2, nout2)

        _, nout = jax.lax.fori_loop(0, _NCH, body, (-1, 0))
        jax.lax.fori_loop(0, nout, wait_wb, 0)

    return k(h_flat, src)


def kernel(tokens, W_qk, start_key):
    h, src = _tc_scan(tokens, W_qk, start_key)
    smoothed = _sc_gather(h.reshape(_B * _L, _DIM),
                          src.reshape(_NW * _NCH, _CH))
    smoothed = smoothed.reshape(_B, _L, _DIM)
    aux = jnp.zeros((), jnp.float32)
    return smoothed, h, aux

# --- scband reference (transcript-rebuilt; emitter-appended) ---
"""Pipeline reference for scband-dynamic-chunking-downsampler-42829413875991 (READ-ONLY COPY).

The authoritative reference and input builder live on the scoring server;
editing this copy changes nothing except your own understanding.
"""

import jax, jax.numpy as jnp
import numpy as np

B, L, DIM, DIM_QK = 4, 8192, 768, 128
THRESH = 0.5
TARGET_N = 6.0
RATIO_W = 0.03


def setup_inputs(seed: int = 0):
    key = jax.random.key(seed)
    k1, k2, k3 = jax.random.split(key, 3)
    tokens = jax.random.normal(k1, (B, L, DIM), dtype=jnp.float32)
    W_qk = jax.random.normal(k2, (DIM, 2 * DIM_QK), dtype=jnp.float32) * (1.0 / np.sqrt(DIM))
    start_key = jax.random.normal(k3, (DIM_QK,), dtype=jnp.float32) * 0.01
    return {"tokens": tokens, "W_qk": W_qk, "start_key": start_key}


def _cos_sim(a, b, eps=1e-8):
    na = jnp.maximum(jnp.linalg.norm(a, axis=-1), eps)
    nb = jnp.maximum(jnp.linalg.norm(b, axis=-1), eps)
    return jnp.sum(a * b, axis=-1) / (na * nb)


def _assoc_scan(gates, inputs):
    # first-order linear recurrence h_t = gates_t * h_{t-1} + inputs_t
    a = jnp.broadcast_to(gates[..., None], inputs.shape)
    def combine(c1, c2):
        a1, b1 = c1
        a2, b2 = c2
        return (a1 * a2, a2 * b1 + b2)
    _, h = jax.lax.associative_scan(combine, (a, inputs), axis=1)
    return h


def _forward(tokens, W_qk, start_key, needs_grad):
    Bt, Lt, _ = tokens.shape
    qk = tokens @ W_qk
    queries, keys = jnp.split(qk, 2, axis=-1)
    start = jnp.broadcast_to(start_key[None, None, :], (Bt, 1, keys.shape[-1]))
    keys_prev = jnp.concatenate([start, keys[:, :-1]], axis=1)
    probs = (1.0 - _cos_sim(queries, keys_prev)) * 0.5
    boundary_mask = probs > THRESH
    boundary_mask = boundary_mask.at[:, 0].set(True)
    pos_idx = jnp.broadcast_to(jnp.arange(Lt)[None, :], (Bt, Lt))
    # pack boundary positions to the front (stable, ascending), pad with sentinel
    sort_key = jnp.where(boundary_mask, pos_idx, pos_idx + Lt)
    packed = jnp.sort(sort_key, axis=-1)
    valid = packed < Lt
    gpos = jnp.where(valid, packed, 0)
    validf = valid.astype(tokens.dtype)
    down = jnp.take_along_axis(tokens, gpos[..., None], axis=1) * validf[..., None]
    bprobs = jnp.take_along_axis(probs, gpos, axis=1) * validf
    gates = 1.0 - bprobs
    down = down * bprobs[..., None]
    smoothed = _assoc_scan(gates, down)
    # upsample: each position t copies its chunk's downsampled token
    chunk_id = jnp.cumsum(boundary_mask.astype(jnp.int32), axis=-1) - 1
    upsampled = jnp.take_along_axis(smoothed, chunk_id[..., None], axis=1)
    if needs_grad:
        confidence = jnp.where(boundary_mask, probs, 1.0 - probs)
        scale = confidence * jax.lax.stop_gradient(1.0 - confidence)
        upsampled = upsampled * scale[..., None]
        N = TARGET_N
        F = boundary_mask.astype(tokens.dtype).mean(axis=-1)
        G = probs.mean(axis=-1)
        ratio = N / (N - 1.0) * ((N - 1.0) * F * G + (1.0 - F) * (1.0 - G))
        aux = ratio.mean() * RATIO_W
    else:
        aux = jnp.asarray(0.0, tokens.dtype)
    return smoothed, upsampled, aux


def reference(tokens, W_qk, start_key):
    # inference path: tokens.requires_grad == False -> no confidence scaling, aux_loss = 0
    return _forward(tokens, W_qk, start_key, False)

if __name__ == "__main__":
    import jax
    _d = setup_inputs()
    print(jax.jit(kernel)(*tuple(_d.values())))

</pallas_src>

<mosaic_0001>
#map = affine_map<(d0, d1) -> (0, 0)>
module attributes {stable_mosaic.version = 14 : i64} {
  func.func @k(%arg0: i32, %arg1: i32, %arg2: memref<32768x768xf32, #tpu.memory_space<hbm>>, %arg3: memref<512x64xi32, #tpu.memory_space<hbm>>, %arg4: memref<32768x768xf32, #tpu.memory_space<hbm>>, %arg5: memref<16x64xi32, #tpu.memory_space<vmem>>, %arg6: memref<64x768xf32, #tpu.memory_space<vmem>>, %arg7: memref<!tpu.dma_semaphore, #tpu.memory_space<semaphore_mem>>, %arg8: memref<!tpu.dma_semaphore, #tpu.memory_space<semaphore_mem>>) attributes {dimension_semantics = [#tpu.dimension_semantics<core_parallel>, #tpu.dimension_semantics<subcore_parallel>], iteration_bounds = array<i64: 2, 16>, scalar_prefetch = 0 : i64, scratch_operands = 4 : i64, tpu.core_type = #tpu.core_type<sc_vector_subcore>, window_params = [{transform_indices = #map}, {transform_indices = #map}, {transform_indices = #map}]} {
    %mul3A = arith.constant 2 : i32
    %mul3A_0 = arith.muli %arg1, %mul3A : i32
    %add3A = arith.addi %mul3A_0, %arg0 : i32
    %mul3A_1 = arith.constant 1024 : i32
    %mul3A_2 = arith.muli %add3A, %mul3A_1 : i32
    %mul3A_3 = arith.constant 16 : i32
    %mul3A_4 = arith.muli %add3A, %mul3A_3 : i32
    "tpu.region"() ({
      %run_scoped3A = tpu.sem_alloc : memref<!tpu.dma_semaphore, #tpu.memory_space<semaphore_mem>>
      %dma_start3A = arith.constant 0 : i32
      %dma_start3A_21 = tpu.memref_slice %arg3[%mul3A_4, %dma_start3A] : memref<512x64xi32, #tpu.memory_space<hbm>> -> memref<16x64xi32, #tpu.memory_space<hbm>>
      %dma_start3A_22 = arith.constant 0 : i32
      %dma_start3A_23 = tpu.memref_slice %arg3[%mul3A_4, %dma_start3A_22] : memref<512x64xi32, #tpu.memory_space<hbm>> -> memref<16x64xi32, #tpu.memory_space<hbm>>
      tpu.enqueue_dma source(%dma_start3A_23 : memref<16x64xi32, #tpu.memory_space<hbm>>) target(%arg5 : memref<16x64xi32, #tpu.memory_space<vmem>>) target_semaphore(%run_scoped3A : memref<!tpu.dma_semaphore, #tpu.memory_space<semaphore_mem>>)
      %dma_wait3A = arith.constant 0 : i32
      %dma_wait3A_24 = tpu.memref_slice %arg3[%mul3A_4, %dma_wait3A] : memref<512x64xi32, #tpu.memory_space<hbm>> -> memref<16x64xi32, #tpu.memory_space<hbm>>
      %dma_wait3A_25 = arith.constant 0 : i32
      %dma_wait3A_26 = tpu.memref_slice %arg3[%mul3A_4, %dma_wait3A_25] : memref<512x64xi32, #tpu.memory_space<hbm>> -> memref<16x64xi32, #tpu.memory_space<hbm>>
      tpu.wait_dma2 semaphore(%run_scoped3A : memref<!tpu.dma_semaphore, #tpu.memory_space<semaphore_mem>>) src(%dma_wait3A_26 : memref<16x64xi32, #tpu.memory_space<hbm>>) dst(%arg5 : memref<16x64xi32, #tpu.memory_space<vmem>>)
      tpu.yield
    }) : () -> ()
    %scan3A = arith.constant -1 : i32
    %scan3A_5 = arith.constant 0 : i32
    %scan3A_6 = arith.constant 0 : i32
    %scan3A_7 = arith.constant 16 : i32
    %scan3A_8 = arith.addi %scan3A_6, %scan3A_7 : i32
    %scan3A_9 = arith.constant 1 : i32
    %scan3A_10:2 = scf.for %scan3A_21 = %scan3A_6 to %scan3A_8 step %scan3A_9 iter_args(%scan3A_22 = %scan3A, %scan3A_23 = %scan3A_5) -> (i32, i32)  : i32 {
      %get3A = arith.index_cast %scan3A_21 : i32 to index
      %get3A_24 = arith.constant 0 : index
      %get3A_25 = tpu.vector_load %arg5[%get3A, %get3A_24] {strides = array<i32>} : memref<16x64xi32, #tpu.memory_space<vmem>>, vector<1x16xi32>,
      %get3A_26 = vector.shape_cast %get3A_25 : vector<1x16xi32> to vector<16xi32>
      %get3A_27 = arith.index_cast %scan3A_21 : i32 to index
      %get3A_28 = arith.constant 48 : index
      %get3A_29 = tpu.vector_load %arg5[%get3A_27, %get3A_28] {strides = array<i32>} : memref<16x64xi32, #tpu.memory_space<vmem>>, vector<1x16xi32>,
      %get3A_30 = vector.shape_cast %get3A_29 : vector<1x16xi32> to vector<16xi32>
      %slice3A = vector.extract_strided_slice %get3A_26 {offsets = [0], sizes = [1], strides = [1]} : vector<16xi32> to vector<1xi32>
      %squeeze3A = vector.extract %slice3A[0] : i32 from vector<1xi32>
      %slice3A_31 = vector.extract_strided_slice %get3A_30 {offsets = [15], sizes = [1], strides = [1]} : vector<16xi32> to vector<1xi32>
      %squeeze3A_32 = vector.extract %slice3A_31[0] : i32 from vector<1xi32>
      %eq3A = arith.cmpi eq, %squeeze3A, %squeeze3A_32 : i32
      %eq3A_33 = arith.cmpi eq, %squeeze3A_32, %scan3A_22 : i32
      %and3A = arith.andi %eq3A, %eq3A_33 : i1
      %not3A = arith.constant true
      %not3A_34 = arith.xori %and3A, %not3A : i1
      %convert_element_type3A = arith.extui %not3A_34 : i1 to i32
      %cond3A = arith.constant 0 : i32
      %cond3A_35 = arith.cmpi ne, %convert_element_type3A, %cond3A : i32
      scf.if %cond3A_35 {
        %while3A_46 = arith.constant 0 : i32
        %while3A_47 = arith.constant 0 : i32
        %while3A_48 = arith.subi %scan3A_23, %while3A_47 : i32
        %while3A_49 = arith.addi %while3A_47, %while3A_48 : i32
        %while3A_50 = arith.constant 1 : i32
        %while3A_51 = arith.divsi %while3A_48, %while3A_50 : i32
        %while3A_52 = arith.muli %while3A_51, %while3A_50 : i32
        %while3A_53 = arith.addi %while3A_47, %while3A_52 : i32
        %while3A_54 = arith.constant 1 : i32
        scf.for %while3A_67 = %while3A_47 to %while3A_53 step %while3A_54  : i32 {
          %dma_wait3A_68 = arith.constant 0 : i32
          %dma_wait3A_69 = tpu.memref_slice %arg4[%mul3A_2, %dma_wait3A_68] : memref<32768x768xf32, #tpu.memory_space<hbm>> -> memref<64x768xf32, #tpu.memory_space<hbm>>
          %dma_wait3A_70 = arith.constant 0 : i32
          %dma_wait3A_71 = tpu.memref_slice %arg4[%mul3A_2, %dma_wait3A_70] : memref<32768x768xf32, #tpu.memory_space<hbm>> -> memref<64x768xf32, #tpu.memory_space<hbm>>
          tpu.wait_dma2 semaphore(%arg8 : memref<!tpu.dma_semaphore, #tpu.memory_space<semaphore_mem>>) src(%arg6 : memref<64x768xf32, #tpu.memory_space<vmem>>) dst(%dma_wait3A_71 : memref<64x768xf32, #tpu.memory_space<hbm>>)
        }
        %while3A_55 = arith.constant 1 : i32
        scf.for %while3A_67 = %while3A_53 to %while3A_49 step %while3A_55  : i32 {
          %dma_wait3A_68 = arith.constant 0 : i32
          %dma_wait3A_69 = tpu.memref_slice %arg4[%mul3A_2, %dma_wait3A_68] : memref<32768x768xf32, #tpu.memory_space<hbm>> -> memref<64x768xf32, #tpu.memory_space<hbm>>
          %dma_wait3A_70 = arith.constant 0 : i32
          %dma_wait3A_71 = tpu.memref_slice %arg4[%mul3A_2, %dma_wait3A_70] : memref<32768x768xf32, #tpu.memory_space<hbm>> -> memref<64x768xf32, #tpu.memory_space<hbm>>
          tpu.wait_dma2 semaphore(%arg8 : memref<!tpu.dma_semaphore, #tpu.memory_space<semaphore_mem>>) src(%arg6 : memref<64x768xf32, #tpu.memory_space<vmem>>) dst(%dma_wait3A_71 : memref<64x768xf32, #tpu.memory_space<hbm>>)
        }
        %dma_start3A_56 = arith.constant 0 : i32
        %dma_start3A_57 = tpu.memref_slice %arg5[%scan3A_21, %dma_start3A_56] : memref<16x64xi32, #tpu.memory_space<vmem>> -> memref<1x64xi32, #tpu.memory_space<vmem>>
        %dma_start3A_58 = tpu.memref_squeeze %dma_start3A_57 : memref<1x64xi32, #tpu.memory_space<vmem>> -> memref<64xi32, #tpu.memory_space<vmem>>
        %dma_start3A_59 = arith.constant 0 : i32
        %dma_start3A_60 = arith.constant 0 : i32
        %dma_start3A_61 = tpu.memref_slice %arg2[%dma_start3A_59, %dma_start3A_60] : memref<32768x768xf32, #tpu.memory_space<hbm>> -> memref<32768x768xf32, #tpu.memory_space<hbm>>
        tpu.enqueue_indirect_dma source(%dma_start3A_61 : memref<32768x768xf32, #tpu.memory_space<hbm>>) target(%arg6 : memref<64x768xf32, #tpu.memory_space<vmem>>) offsets(%dma_start3A_58 : memref<64xi32, #tpu.memory_space<vmem>>) semaphore(%arg7 : memref<!tpu.dma_semaphore, #tpu.memory_space<semaphore_mem>>)
        %dma_wait3A = arith.constant 0 : i32
        %dma_wait3A_62 = tpu.memref_slice %arg5[%scan3A_21, %dma_wait3A] : memref<16x64xi32, #tpu.memory_space<vmem>> -> memref<1x64xi32, #tpu.memory_space<vmem>>
        %dma_wait3A_63 = tpu.memref_squeeze %dma_wait3A_62 : memref<1x64xi32, #tpu.memory_space<vmem>> -> memref<64xi32, #tpu.memory_space<vmem>>
        %dma_wait3A_64 = arith.constant 0 : i32
        %dma_wait3A_65 = arith.constant 0 : i32
        %dma_wait3A_66 = tpu.memref_slice %arg2[%dma_wait3A_64, %dma_wait3A_65] : memref<32768x768xf32, #tpu.memory_space<hbm>> -> memref<32768x768xf32, #tpu.memory_space<hbm>>
        tpu.wait_indirect_dma semaphore(%arg7 : memref<!tpu.dma_semaphore, #tpu.memory_space<semaphore_mem>>) src(%dma_wait3A_66 : memref<32768x768xf32, #tpu.memory_space<hbm>>) dst(%arg6 : memref<64x768xf32, #tpu.memory_space<vmem>>)
      } else {
      }
      %mul3A_36 = arith.constant 64 : i32
      %mul3A_37 = arith.muli %scan3A_21, %mul3A_36 : i32
      %add3A_38 = arith.addi %mul3A_2, %mul3A_37 : i32
      %dma_start3A = arith.constant 0 : i32
      %dma_start3A_39 = tpu.memref_slice %arg4[%add3A_38, %dma_start3A] : memref<32768x768xf32, #tpu.memory_space<hbm>> -> memref<64x768xf32, #tpu.memory_space<hbm>>
      %dma_start3A_40 = arith.constant 0 : i32
      %dma_start3A_41 = tpu.memref_slice %arg4[%add3A_38, %dma_start3A_40] : memref<32768x768xf32, #tpu.memory_space<hbm>> -> memref<64x768xf32, #tpu.memory_space<hbm>>
      tpu.enqueue_dma source(%arg6 : memref<64x768xf32, #tpu.memory_space<vmem>>) target(%dma_start3A_41 : memref<64x768xf32, #tpu.memory_space<hbm>>) target_semaphore(%arg8 : memref<!tpu.dma_semaphore, #tpu.memory_space<semaphore_mem>>)
      %add3A_42 = arith.constant 1 : i32
      %add3A_43 = arith.addi %scan3A_23, %add3A_42 : i32
      %jit3A = arith.constant 1 : i32
      %select_n3A = arith.select %and3A, %add3A_43, %jit3A : i32
      %jit3A_44 = arith.constant -1 : i32
      %select_n3A_45 = arith.select %eq3A, %squeeze3A_32, %jit3A_44 : i32
      scf.yield %select_n3A_45, %select_n3A : i32, i32
    }
    %scan3A_11 = arith.constant 16 : i32
    %while3A = arith.constant 0 : i32
    %while3A_12 = arith.constant 0 : i32
    %while3A_13 = arith.subi %scan3A_10#1, %while3A_12 : i32
    %while3A_14 = arith.addi %while3A_12, %while3A_13 : i32
    %while3A_15 = arith.constant 1 : i32
    %while3A_16 = arith.divsi %while3A_13, %while3A_15 : i32
    %while3A_17 = arith.muli %while3A_16, %while3A_15 : i32
    %while3A_18 = arith.addi %while3A_12, %while3A_17 : i32
    %while3A_19 = arith.constant 1 : i32
    scf.for %while3A_21 = %while3A_12 to %while3A_18 step %while3A_19  : i32 {
      %dma_wait3A = arith.constant 0 : i32
      %dma_wait3A_22 = tpu.memref_slice %arg4[%mul3A_2, %dma_wait3A] : memref<32768x768xf32, #tpu.memory_space<hbm>> -> memref<64x768xf32, #tpu.memory_space<hbm>>
      %dma_wait3A_23 = arith.constant 0 : i32
      %dma_wait3A_24 = tpu.memref_slice %arg4[%mul3A_2, %dma_wait3A_23] : memref<32768x768xf32, #tpu.memory_space<hbm>> -> memref<64x768xf32, #tpu.memory_space<hbm>>
      tpu.wait_dma2 semaphore(%arg8 : memref<!tpu.dma_semaphore, #tpu.memory_space<semaphore_mem>>) src(%arg6 : memref<64x768xf32, #tpu.memory_space<vmem>>) dst(%dma_wait3A_24 : memref<64x768xf32, #tpu.memory_space<hbm>>)
    }
    %while3A_20 = arith.constant 1 : i32
    scf.for %while3A_21 = %while3A_18 to %while3A_14 step %while3A_20  : i32 {
      %dma_wait3A = arith.constant 0 : i32
      %dma_wait3A_22 = tpu.memref_slice %arg4[%mul3A_2, %dma_wait3A] : memref<32768x768xf32, #tpu.memory_space<hbm>> -> memref<64x768xf32, #tpu.memory_space<hbm>>
      %dma_wait3A_23 = arith.constant 0 : i32
      %dma_wait3A_24 = tpu.memref_slice %arg4[%mul3A_2, %dma_wait3A_23] : memref<32768x768xf32, #tpu.memory_space<hbm>> -> memref<64x768xf32, #tpu.memory_space<hbm>>
      tpu.wait_dma2 semaphore(%arg8 : memref<!tpu.dma_semaphore, #tpu.memory_space<semaphore_mem>>) src(%arg6 : memref<64x768xf32, #tpu.memory_space<vmem>>) dst(%dma_wait3A_24 : memref<64x768xf32, #tpu.memory_space<hbm>>)
    }
    return
  }
}

module attributes {stable_mosaic.version = 14 : i64} {
  func.func @_tc_body(%arg0: i32, %arg1: i32, %arg2: memref<1x512x768xf32, #tpu.memory_space<vmem>>, %arg3: memref<768x256xf32, #tpu.memory_space<vmem>>, %arg4: memref<1x128xf32, #tpu.memory_space<vmem>>, %arg5: memref<1x512x768xf32, #tpu.memory_space<vmem>>, %arg6: memref<1x1x8192xi32, #tpu.memory_space<vmem>>, %arg7: memref<8x128xf32, #tpu.memory_space<vmem>>, %arg8: memref<8x768xf32, #tpu.memory_space<vmem>>, %arg9: memref<4xi32, #tpu.memory_space<smem>>) attributes {dimension_semantics = [#tpu.dimension_semantics<arbitrary>, #tpu.dimension_semantics<arbitrary>], iteration_bounds = array<i64: 4, 16>, scalar_prefetch = 0 : i64, scratch_operands = 3 : i64, tpu.core_type = #tpu.core_type<tc>, window_params = [{transform_indices = @transform_0, window_bounds = array<i64: 1, 512, 768>}, {pipeline_mode = #tpu.pipeline_mode<synchronous>, transform_indices = @transform_1, window_bounds = array<i64: 768, 256>}, {pipeline_mode = #tpu.pipeline_mode<synchronous>, transform_indices = @transform_2, window_bounds = array<i64: 1, 128>}, {transform_indices = @transform_3, window_bounds = array<i64: 1, 512, 768>}, {transform_indices = @transform_4, window_bounds = array<i64: 1, 1, 8192>}]} {
    %eq3A = arith.constant 0 : i32
    %eq3A_0 = arith.cmpi eq, %arg1, %eq3A : i32
    %convert_element_type3A = arith.extui %eq3A_0 : i1 to i32
    %cond3A = arith.constant 0 : i32
    %cond3A_1 = arith.cmpi ne, %convert_element_type3A, %cond3A : i32
    scf.if %cond3A_1 {
      %get3A_497 = arith.constant 0 : index
      %get3A_498 = arith.constant 0 : index
      %get3A_499 = vector.load %arg4[%get3A_497, %get3A_498] : memref<1x128xf32, #tpu.memory_space<vmem>>, vector<1x128xf32>
      %broadcast_in_dim3A_500 = vector.shape_cast %get3A_499 : vector<1x128xf32> to vector<1x128xf32>
      %broadcast_in_dim3A_501 = vector.broadcast %broadcast_in_dim3A_500 : vector<1x128xf32> to vector<8x128xf32>
      %swap3A_502 = arith.constant 0 : index
      %swap3A_503 = arith.constant 0 : index
      %swap3A_504 = vector.load %arg7[%swap3A_502, %swap3A_503] : memref<8x128xf32, #tpu.memory_space<vmem>>, vector<8x128xf32>
      tpu.vector_store %arg7[%swap3A_502, %swap3A_503], %broadcast_in_dim3A_501 {strides = array<i32>} : memref<8x128xf32, #tpu.memory_space<vmem>>, vector<8x128xf32>,
      %broadcast_in_dim3A_505 = arith.constant 0.000000e+00 : f32
      %broadcast_in_dim3A_506 = vector.broadcast %broadcast_in_dim3A_505 : f32 to vector<8x768xf32>
      %swap3A_507 = arith.constant 0 : index
      %swap3A_508 = arith.constant 0 : index
      %swap3A_509 = vector.load %arg8[%swap3A_507, %swap3A_508] : memref<8x768xf32, #tpu.memory_space<vmem>>, vector<8x768xf32>
      tpu.vector_store %arg8[%swap3A_507, %swap3A_508], %broadcast_in_dim3A_506 {strides = array<i32>} : memref<8x768xf32, #tpu.memory_space<vmem>>, vector<8x768xf32>,
      %swap3A_510 = arith.constant 0 : i32
      %swap3A_511 = arith.constant 0 : index
      %swap3A_512 = memref.load %arg9[%swap3A_511] : memref<4xi32, #tpu.memory_space<smem>>
      memref.store %swap3A_510, %arg9[%swap3A_511] : memref<4xi32, #tpu.memory_space<smem>>
      %swap3A_513 = arith.constant -1 : i32
      %swap3A_514 = arith.constant 1 : index
      %swap3A_515 = memref.load %arg9[%swap3A_514] : memref<4xi32, #tpu.memory_space<smem>>
      memref.store %swap3A_513, %arg9[%swap3A_514] : memref<4xi32, #tpu.memory_space<smem>>
    } else {
    }
    %get3A = arith.constant 0 : index
    %get3A_2 = arith.constant 0 : index
    %get3A_3 = arith.constant 0 : index
    %get3A_4 = vector.load %arg2[%get3A, %get3A_2, %get3A_3] : memref<1x512x768xf32, #tpu.memory_space<vmem>>, vector<1x512x768xf32>
    %get3A_5 = vector.shape_cast %get3A_4 : vector<1x512x768xf32> to vector<512x768xf32>
    %get3A_6 = arith.constant 0 : index
    %get3A_7 = arith.constant 0 : index
    %get3A_8 = vector.load %arg3[%get3A_6, %get3A_7] : memref<768x256xf32, #tpu.memory_space<vmem>>, vector<768x256xf32>
    %dot_general3A = arith.constant dense<0.000000e+00> : vector<512x256xf32>
    %dot_general3A_9 = tpu.matmul %get3A_5, %get3A_8, %dot_general3A {dimension_numbers = #tpu.dot_dimension_numbers<[1], [0], [0], [1], [0, 0, 1, 1], [], []>, transpose_lhs_hint = false} : vector<512x768xf32>, vector<768x256xf32>, vector<512x256xf32> -> vector<512x256xf32>
    %slice3A = vector.extract_strided_slice %dot_general3A_9 {offsets = [0, 0], sizes = [512, 128], strides = [1, 1]} : vector<512x256xf32> to vector<512x128xf32>
    %slice3A_10 = vector.extract_strided_slice %dot_general3A_9 {offsets = [0, 128], sizes = [512, 128], strides = [1, 1]} : vector<512x256xf32> to vector<512x128xf32>
    %iota3A = tpu.iota {dimensions = array<i32: 0>} : vector<512x128xi32>
    %slice3A_11 = vector.extract_strided_slice %slice3A_10 {offsets = [511, 0], sizes = [1, 128], strides = [1, 1]} : vector<512x128xf32> to vector<1x128xf32>
    %slice3A_12 = vector.extract_strided_slice %slice3A_10 {offsets = [0, 0], sizes = [511, 128], strides = [1, 1]} : vector<512x128xf32> to vector<511x128xf32>
    %concatenate3A = tpu.concatenate %slice3A_11, %slice3A_12 in 0 : vector<1x128xf32>, vector<511x128xf32> -> vector<512x128xf32>
    %lt3A = arith.constant 1 : i32
    %lt3A_13 = vector.broadcast %lt3A : i32 to vector<512x128xi32>
    %lt3A_14 = arith.cmpi slt, %iota3A, %lt3A_13 : vector<512x128xi32>
    %jit3A = arith.constant 0.000000e+00 : f32
    %broadcast_in_dim3A = vector.broadcast %jit3A : f32 to vector<512x128xf32>
    %select_n3A = arith.select %lt3A_14, %broadcast_in_dim3A, %concatenate3A : vector<512x128xi1>, vector<512x128xf32>
    %iota3A_15 = tpu.iota {dimensions = array<i32: 0>} : vector<512x1xi32>
    %eq3A_16 = arith.constant 0 : i32
    %eq3A_17 = vector.broadcast %eq3A_16 : i32 to vector<512x1xi32>
    %eq3A_18 = arith.cmpi eq, %iota3A_15, %eq3A_17 : vector<512x1xi32>
    %get3A_19 = arith.constant 0 : index
    %get3A_20 = arith.constant 0 : index
    %get3A_21 = vector.load %arg7[%get3A_19, %get3A_20] : memref<8x128xf32, #tpu.memory_space<vmem>>, vector<1x128xf32>
    %broadcast_in_dim3A_22 = vector.shape_cast %eq3A_18 : vector<512x1xi1> to vector<512x1xi1>
    %broadcast_in_dim3A_23 = vector.broadcast %broadcast_in_dim3A_22 : vector<512x1xi1> to vector<512x128xi1>
    %broadcast_in_dim3A_24 = vector.shape_cast %get3A_21 : vector<1x128xf32> to vector<1x128xf32>
    %broadcast_in_dim3A_25 = vector.broadcast %broadcast_in_dim3A_24 : vector<1x128xf32> to vector<512x128xf32>
    %select_n3A_26 = arith.select %broadcast_in_dim3A_23, %broadcast_in_dim3A_25, %select_n3A : vector<512x128xi1>, vector<512x128xf32>
    %mul3A = arith.mulf %slice3A, %slice3A : vector<512x128xf32>
    %reduce_sum3A = arith.constant dense<0.000000e+00> : vector<512xf32>
    %reduce_sum3A_27 = vector.multi_reduction <add>, %mul3A, %reduce_sum3A [1] : vector<512x128xf32> to vector<512xf32>
    %broadcast_in_dim3A_28 = vector.shape_cast %reduce_sum3A_27 : vector<512xf32> to vector<512x1xf32>
    %sqrt3A = math.sqrt %broadcast_in_dim3A_28 : vector<512x1xf32>
    %max3A = arith.constant 9.99999993E-9 : f32
    %max3A_29 = vector.broadcast %max3A : f32 to vector<512x1xf32>
    %max3A_30 = arith.maximumf %sqrt3A, %max3A_29 : vector<512x1xf32>
    %mul3A_31 = arith.mulf %select_n3A_26, %select_n3A_26 : vector<512x128xf32>
    %reduce_sum3A_32 = arith.constant dense<0.000000e+00> : vector<512xf32>
    %reduce_sum3A_33 = vector.multi_reduction <add>, %mul3A_31, %reduce_sum3A_32 [1] : vector<512x128xf32> to vector<512xf32>
    %broadcast_in_dim3A_34 = vector.shape_cast %reduce_sum3A_33 : vector<512xf32> to vector<512x1xf32>
    %sqrt3A_35 = math.sqrt %broadcast_in_dim3A_34 : vector<512x1xf32>
    %max3A_36 = arith.constant 9.99999993E-9 : f32
    %max3A_37 = vector.broadcast %max3A_36 : f32 to vector<512x1xf32>
    %max3A_38 = arith.maximumf %sqrt3A_35, %max3A_37 : vector<512x1xf32>
    %mul3A_39 = arith.mulf %slice3A, %select_n3A_26 : vector<512x128xf32>
    %reduce_sum3A_40 = arith.constant dense<0.000000e+00> : vector<512xf32>
    %reduce_sum3A_41 = vector.multi_reduction <add>, %mul3A_39, %reduce_sum3A_40 [1] : vector<512x128xf32> to vector<512xf32>
    %broadcast_in_dim3A_42 = vector.shape_cast %reduce_sum3A_41 : vector<512xf32> to vector<512x1xf32>
    %mul3A_43 = arith.mulf %max3A_30, %max3A_38 : vector<512x1xf32>
    %div3A = arith.divf %broadcast_in_dim3A_42, %mul3A_43 : vector<512x1xf32>
    %sub3A = arith.constant 1.000000e+00 : f32
    %sub3A_44 = vector.broadcast %sub3A : f32 to vector<512x1xf32>
    %sub3A_45 = arith.subf %sub3A_44, %div3A : vector<512x1xf32>
    %mul3A_46 = arith.constant 5.000000e-01 : f32
    %mul3A_47 = vector.broadcast %mul3A_46 : f32 to vector<512x1xf32>
    %mul3A_48 = arith.mulf %sub3A_45, %mul3A_47 : vector<512x1xf32>
    %gt3A = arith.constant 5.000000e-01 : f32
    %gt3A_49 = vector.broadcast %gt3A : f32 to vector<512x1xf32>
    %gt3A_50 = arith.cmpf ogt, %mul3A_48, %gt3A_49 : vector<512x1xf32>
    %eq3A_51 = arith.constant 0 : i32
    %eq3A_52 = arith.cmpi eq, %arg1, %eq3A_51 : i32
    %eq3A_53 = arith.constant 0 : i32
    %eq3A_54 = vector.broadcast %eq3A_53 : i32 to vector<512x1xi32>
    %eq3A_55 = arith.cmpi eq, %iota3A_15, %eq3A_54 : vector<512x1xi32>
    %and3A = vector.broadcast %eq3A_52 : i1 to vector<512x1xi1>
    %and3A_56 = arith.andi %and3A, %eq3A_55 : vector<512x1xi1>
    %or3A = arith.ori %gt3A_50, %and3A_56 : vector<512x1xi1>
    %sub3A_57 = arith.constant 1.000000e+00 : f32
    %sub3A_58 = vector.broadcast %sub3A_57 : f32 to vector<512x1xf32>
    %sub3A_59 = arith.subf %sub3A_58, %mul3A_48 : vector<512x1xf32>
    %jit3A_60 = arith.constant 1.000000e+00 : f32
    %broadcast_in_dim3A_61 = vector.broadcast %jit3A_60 : f32 to vector<512x1xf32>
    %select_n3A_62 = arith.select %or3A, %sub3A_59, %broadcast_in_dim3A_61 : vector<512x1xi1>, vector<512x1xf32>
    %jit3A_63 = arith.constant 0.000000e+00 : f32
    %broadcast_in_dim3A_64 = vector.broadcast %jit3A_63 : f32 to vector<512x1xf32>
    %select_n3A_65 = arith.select %or3A, %mul3A_48, %broadcast_in_dim3A_64 : vector<512x1xi1>, vector<512x1xf32>
    %mul3A_66 = vector.broadcast %select_n3A_65 : vector<512x1xf32> to vector<512x768xf32>
    %mul3A_67 = arith.mulf %mul3A_66, %get3A_5 : vector<512x768xf32>
    %convert_element_type3A_68 = arith.extui %or3A : vector<512x1xi1> to vector<512x1xi32>
    %iota3A_69 = tpu.iota {dimensions = array<i32: 0>} : vector<512x768xi32>
    %slice3A_70 = vector.extract_strided_slice %mul3A_67 {offsets = [511, 0], sizes = [1, 768], strides = [1, 1]} : vector<512x768xf32> to vector<1x768xf32>
    %slice3A_71 = vector.extract_strided_slice %mul3A_67 {offsets = [0, 0], sizes = [511, 768], strides = [1, 1]} : vector<512x768xf32> to vector<511x768xf32>
    %concatenate3A_72 = tpu.concatenate %slice3A_70, %slice3A_71 in 0 : vector<1x768xf32>, vector<511x768xf32> -> vector<512x768xf32>
    %lt3A_73 = arith.constant 1 : i32
    %lt3A_74 = vector.broadcast %lt3A_73 : i32 to vector<512x768xi32>
    %lt3A_75 = arith.cmpi slt, %iota3A_69, %lt3A_74 : vector<512x768xi32>
    %jit3A_76 = arith.constant 0.000000e+00 : f32
    %broadcast_in_dim3A_77 = vector.broadcast %jit3A_76 : f32 to vector<512x768xf32>
    %select_n3A_78 = arith.select %lt3A_75, %broadcast_in_dim3A_77, %concatenate3A_72 : vector<512x768xi1>, vector<512x768xf32>
    %mul3A_79 = vector.broadcast %select_n3A_62 : vector<512x1xf32> to vector<512x768xf32>
    %mul3A_80 = arith.mulf %mul3A_79, %select_n3A_78 : vector<512x768xf32>
    %add3A = arith.addf %mul3A_80, %mul3A_67 : vector<512x768xf32>
    %iota3A_81 = tpu.iota {dimensions = array<i32: 0>} : vector<512x1xi32>
    %slice3A_82 = vector.extract_strided_slice %convert_element_type3A_68 {offsets = [511, 0], sizes = [1, 1], strides = [1, 1]} : vector<512x1xi32> to vector<1x1xi32>
    %slice3A_83 = vector.extract_strided_slice %convert_element_type3A_68 {offsets = [0, 0], sizes = [511, 1], strides = [1, 1]} : vector<512x1xi32> to vector<511x1xi32>
    %concatenate3A_84 = tpu.concatenate %slice3A_82, %slice3A_83 in 0 : vector<1x1xi32>, vector<511x1xi32> -> vector<512x1xi32>
    %lt3A_85 = arith.constant 1 : i32
    %lt3A_86 = vector.broadcast %lt3A_85 : i32 to vector<512x1xi32>
    %lt3A_87 = arith.cmpi slt, %iota3A_81, %lt3A_86 : vector<512x1xi32>
    %jit3A_88 = arith.constant 0 : i32
    %broadcast_in_dim3A_89 = vector.broadcast %jit3A_88 : i32 to vector<512x1xi32>
    %select_n3A_90 = arith.select %lt3A_87, %broadcast_in_dim3A_89, %concatenate3A_84 : vector<512x1xi1>, vector<512x1xi32>
    %add3A_91 = arith.addi %convert_element_type3A_68, %select_n3A_90 : vector<512x1xi32>
    %iota3A_92 = tpu.iota {dimensions = array<i32: 0>} : vector<512x1xi32>
    %slice3A_93 = vector.extract_strided_slice %select_n3A_62 {offsets = [511, 0], sizes = [1, 1], strides = [1, 1]} : vector<512x1xf32> to vector<1x1xf32>
    %slice3A_94 = vector.extract_strided_slice %select_n3A_62 {offsets = [0, 0], sizes = [511, 1], strides = [1, 1]} : vector<512x1xf32> to vector<511x1xf32>
    %concatenate3A_95 = tpu.concatenate %slice3A_93, %slice3A_94 in 0 : vector<1x1xf32>, vector<511x1xf32> -> vector<512x1xf32>
    %lt3A_96 = arith.constant 1 : i32
    %lt3A_97 = vector.broadcast %lt3A_96 : i32 to vector<512x1xi32>
    %lt3A_98 = arith.cmpi slt, %iota3A_92, %lt3A_97 : vector<512x1xi32>
    %jit3A_99 = arith.constant 1.000000e+00 : f32
    %broadcast_in_dim3A_100 = vector.broadcast %jit3A_99 : f32 to vector<512x1xf32>
    %select_n3A_101 = arith.select %lt3A_98, %broadcast_in_dim3A_100, %concatenate3A_95 : vector<512x1xi1>, vector<512x1xf32>
    %mul3A_102 = arith.mulf %select_n3A_62, %select_n3A_101 : vector<512x1xf32>
    %iota3A_103 = tpu.iota {dimensions = array<i32: 0>} : vector<512x768xi32>
    %slice3A_104 = vector.extract_strided_slice %add3A {offsets = [510, 0], sizes = [2, 768], strides = [1, 1]} : vector<512x768xf32> to vector<2x768xf32>
    %slice3A_105 = vector.extract_strided_slice %add3A {offsets = [0, 0], sizes = [510, 768], strides = [1, 1]} : vector<512x768xf32> to vector<510x768xf32>
    %concatenate3A_106 = tpu.concatenate %slice3A_104, %slice3A_105 in 0 : vector<2x768xf32>, vector<510x768xf32> -> vector<512x768xf32>
    %lt3A_107 = arith.constant 2 : i32
    %lt3A_108 = vector.broadcast %lt3A_107 : i32 to vector<512x768xi32>
    %lt3A_109 = arith.cmpi slt, %iota3A_103, %lt3A_108 : vector<512x768xi32>
    %jit3A_110 = arith.constant 0.000000e+00 : f32
    %broadcast_in_dim3A_111 = vector.broadcast %jit3A_110 : f32 to vector<512x768xf32>
    %select_n3A_112 = arith.select %lt3A_109, %broadcast_in_dim3A_111, %concatenate3A_106 : vector<512x768xi1>, vector<512x768xf32>
    %mul3A_113 = vector.broadcast %mul3A_102 : vector<512x1xf32> to vector<512x768xf32>
    %mul3A_114 = arith.mulf %mul3A_113, %select_n3A_112 : vector<512x768xf32>
    %add3A_115 = arith.addf %mul3A_114, %add3A : vector<512x768xf32>
    %iota3A_116 = tpu.iota {dimensions = array<i32: 0>} : vector<512x1xi32>
    %slice3A_117 = vector.extract_strided_slice %add3A_91 {offsets = [510, 0], sizes = [2, 1], strides = [1, 1]} : vector<512x1xi32> to vector<2x1xi32>
    %slice3A_118 = vector.extract_strided_slice %add3A_91 {offsets = [0, 0], sizes = [510, 1], strides = [1, 1]} : vector<512x1xi32> to vector<510x1xi32>
    %concatenate3A_119 = tpu.concatenate %slice3A_117, %slice3A_118 in 0 : vector<2x1xi32>, vector<510x1xi32> -> vector<512x1xi32>
    %lt3A_120 = arith.constant 2 : i32
    %lt3A_121 = vector.broadcast %lt3A_120 : i32 to vector<512x1xi32>
    %lt3A_122 = arith.cmpi slt, %iota3A_116, %lt3A_121 : vector<512x1xi32>
    %jit3A_123 = arith.constant 0 : i32
    %broadcast_in_dim3A_124 = vector.broadcast %jit3A_123 : i32 to vector<512x1xi32>
    %select_n3A_125 = arith.select %lt3A_122, %broadcast_in_dim3A_124, %concatenate3A_119 : vector<512x1xi1>, vector<512x1xi32>
    %add3A_126 = arith.addi %add3A_91, %select_n3A_125 : vector<512x1xi32>
    %iota3A_127 = tpu.iota {dimensions = array<i32: 0>} : vector<512x1xi32>
    %slice3A_128 = vector.extract_strided_slice %mul3A_102 {offsets = [510, 0], sizes = [2, 1], strides = [1, 1]} : vector<512x1xf32> to vector<2x1xf32>
    %slice3A_129 = vector.extract_strided_slice %mul3A_102 {offsets = [0, 0], sizes = [510, 1], strides = [1, 1]} : vector<512x1xf32> to vector<510x1xf32>
    %concatenate3A_130 = tpu.concatenate %slice3A_128, %slice3A_129 in 0 : vector<2x1xf32>, vector<510x1xf32> -> vector<512x1xf32>
    %lt3A_131 = arith.constant 2 : i32
    %lt3A_132 = vector.broadcast %lt3A_131 : i32 to vector<512x1xi32>
    %lt3A_133 = arith.cmpi slt, %iota3A_127, %lt3A_132 : vector<512x1xi32>
    %jit3A_134 = arith.constant 1.000000e+00 : f32
    %broadcast_in_dim3A_135 = vector.broadcast %jit3A_134 : f32 to vector<512x1xf32>
    %select_n3A_136 = arith.select %lt3A_133, %broadcast_in_dim3A_135, %concatenate3A_130 : vector<512x1xi1>, vector<512x1xf32>
    %mul3A_137 = arith.mulf %mul3A_102, %select_n3A_136 : vector<512x1xf32>
    %iota3A_138 = tpu.iota {dimensions = array<i32: 0>} : vector<512x768xi32>
    %slice3A_139 = vector.extract_strided_slice %add3A_115 {offsets = [508, 0], sizes = [4, 768], strides = [1, 1]} : vector<512x768xf32> to vector<4x768xf32>
    %slice3A_140 = vector.extract_strided_slice %add3A_115 {offsets = [0, 0], sizes = [508, 768], strides = [1, 1]} : vector<512x768xf32> to vector<508x768xf32>
    %concatenate3A_141 = tpu.concatenate %slice3A_139, %slice3A_140 in 0 : vector<4x768xf32>, vector<508x768xf32> -> vector<512x768xf32>
    %lt3A_142 = arith.constant 4 : i32
    %lt3A_143 = vector.broadcast %lt3A_142 : i32 to vector<512x768xi32>
    %lt3A_144 = arith.cmpi slt, %iota3A_138, %lt3A_143 : vector<512x768xi32>
    %jit3A_145 = arith.constant 0.000000e+00 : f32
    %broadcast_in_dim3A_146 = vector.broadcast %jit3A_145 : f32 to vector<512x768xf32>
    %select_n3A_147 = arith.select %lt3A_144, %broadcast_in_dim3A_146, %concatenate3A_141 : vector<512x768xi1>, vector<512x768xf32>
    %mul3A_148 = vector.broadcast %mul3A_137 : vector<512x1xf32> to vector<512x768xf32>
    %mul3A_149 = arith.mulf %mul3A_148, %select_n3A_147 : vector<512x768xf32>
    %add3A_150 = arith.addf %mul3A_149, %add3A_115 : vector<512x768xf32>
    %iota3A_151 = tpu.iota {dimensions = array<i32: 0>} : vector<512x1xi32>
    %slice3A_152 = vector.extract_strided_slice %add3A_126 {offsets = [508, 0], sizes = [4, 1], strides = [1, 1]} : vector<512x1xi32> to vector<4x1xi32>
    %slice3A_153 = vector.extract_strided_slice %add3A_126 {offsets = [0, 0], sizes = [508, 1], strides = [1, 1]} : vector<512x1xi32> to vector<508x1xi32>
    %concatenate3A_154 = tpu.concatenate %slice3A_152, %slice3A_153 in 0 : vector<4x1xi32>, vector<508x1xi32> -> vector<512x1xi32>
    %lt3A_155 = arith.constant 4 : i32
    %lt3A_156 = vector.broadcast %lt3A_155 : i32 to vector<512x1xi32>
    %lt3A_157 = arith.cmpi slt, %iota3A_151, %lt3A_156 : vector<512x1xi32>
    %jit3A_158 = arith.constant 0 : i32
    %broadcast_in_dim3A_159 = vector.broadcast %jit3A_158 : i32 to vector<512x1xi32>
    %select_n3A_160 = arith.select %lt3A_157, %broadcast_in_dim3A_159, %concatenate3A_154 : vector<512x1xi1>, vector<512x1xi32>
    %add3A_161 = arith.addi %add3A_126, %select_n3A_160 : vector<512x1xi32>
    %iota3A_162 = tpu.iota {dimensions = array<i32: 0>} : vector<512x1xi32>
    %slice3A_163 = vector.extract_strided_slice %mul3A_137 {offsets = [508, 0], sizes = [4, 1], strides = [1, 1]} : vector<512x1xf32> to vector<4x1xf32>
    %slice3A_164 = vector.extract_strided_slice %mul3A_137 {offsets = [0, 0], sizes = [508, 1], strides = [1, 1]} : vector<512x1xf32> to vector<508x1xf32>
    %concatenate3A_165 = tpu.concatenate %slice3A_163, %slice3A_164 in 0 : vector<4x1xf32>, vector<508x1xf32> -> vector<512x1xf32>
    %lt3A_166 = arith.constant 4 : i32
    %lt3A_167 = vector.broadcast %lt3A_166 : i32 to vector<512x1xi32>
    %lt3A_168 = arith.cmpi slt, %iota3A_162, %lt3A_167 : vector<512x1xi32>
    %jit3A_169 = arith.constant 1.000000e+00 : f32
    %broadcast_in_dim3A_170 = vector.broadcast %jit3A_169 : f32 to vector<512x1xf32>
    %select_n3A_171 = arith.select %lt3A_168, %broadcast_in_dim3A_170, %concatenate3A_165 : vector<512x1xi1>, vector<512x1xf32>
    %mul3A_172 = arith.mulf %mul3A_137, %select_n3A_171 : vector<512x1xf32>
    %iota3A_173 = tpu.iota {dimensions = array<i32: 0>} : vector<512x768xi32>
    %slice3A_174 = vector.extract_strided_slice %add3A_150 {offsets = [504, 0], sizes = [8, 768], strides = [1, 1]} : vector<512x768xf32> to vector<8x768xf32>
    %slice3A_175 = vector.extract_strided_slice %add3A_150 {offsets = [0, 0], sizes = [504, 768], strides = [1, 1]} : vector<512x768xf32> to vector<504x768xf32>
    %concatenate3A_176 = tpu.concatenate %slice3A_174, %slice3A_175 in 0 : vector<8x768xf32>, vector<504x768xf32> -> vector<512x768xf32>
    %lt3A_177 = arith.constant 8 : i32
    %lt3A_178 = vector.broadcast %lt3A_177 : i32 to vector<512x768xi32>
    %lt3A_179 = arith.cmpi slt, %iota3A_173, %lt3A_178 : vector<512x768xi32>
    %jit3A_180 = arith.constant 0.000000e+00 : f32
    %broadcast_in_dim3A_181 = vector.broadcast %jit3A_180 : f32 to vector<512x768xf32>
    %select_n3A_182 = arith.select %lt3A_179, %broadcast_in_dim3A_181, %concatenate3A_176 : vector<512x768xi1>, vector<512x768xf32>
    %mul3A_183 = vector.broadcast %mul3A_172 : vector<512x1xf32> to vector<512x768xf32>
    %mul3A_184 = arith.mulf %mul3A_183, %select_n3A_182 : vector<512x768xf32>
    %add3A_185 = arith.addf %mul3A_184, %add3A_150 : vector<512x768xf32>
    %iota3A_186 = tpu.iota {dimensions = array<i32: 0>} : vector<512x1xi32>
    %slice3A_187 = vector.extract_strided_slice %add3A_161 {offsets = [504, 0], sizes = [8, 1], strides = [1, 1]} : vector<512x1xi32> to vector<8x1xi32>
    %slice3A_188 = vector.extract_strided_slice %add3A_161 {offsets = [0, 0], sizes = [504, 1], strides = [1, 1]} : vector<512x1xi32> to vector<504x1xi32>
    %concatenate3A_189 = tpu.concatenate %slice3A_187, %slice3A_188 in 0 : vector<8x1xi32>, vector<504x1xi32> -> vector<512x1xi32>
    %lt3A_190 = arith.constant 8 : i32
    %lt3A_191 = vector.broadcast %lt3A_190 : i32 to vector<512x1xi32>
    %lt3A_192 = arith.cmpi slt, %iota3A_186, %lt3A_191 : vector<512x1xi32>
    %jit3A_193 = arith.constant 0 : i32
    %broadcast_in_dim3A_194 = vector.broadcast %jit3A_193 : i32 to vector<512x1xi32>
    %select_n3A_195 = arith.select %lt3A_192, %broadcast_in_dim3A_194, %concatenate3A_189 : vector<512x1xi1>, vector<512x1xi32>
    %add3A_196 = arith.addi %add3A_161, %select_n3A_195 : vector<512x1xi32>
    %iota3A_197 = tpu.iota {dimensions = array<i32: 0>} : vector<512x1xi32>
    %slice3A_198 = vector.extract_strided_slice %mul3A_172 {offsets = [504, 0], sizes = [8, 1], strides = [1, 1]} : vector<512x1xf32> to vector<8x1xf32>
    %slice3A_199 = vector.extract_strided_slice %mul3A_172 {offsets = [0, 0], sizes = [504, 1], strides = [1, 1]} : vector<512x1xf32> to vector<504x1xf32>
    %concatenate3A_200 = tpu.concatenate %slice3A_198, %slice3A_199 in 0 : vector<8x1xf32>, vector<504x1xf32> -> vector<512x1xf32>
    %lt3A_201 = arith.constant 8 : i32
    %lt3A_202 = vector.broadcast %lt3A_201 : i32 to vector<512x1xi32>
    %lt3A_203 = arith.cmpi slt, %iota3A_197, %lt3A_202 : vector<512x1xi32>
    %jit3A_204 = arith.constant 1.000000e+00 : f32
    %broadcast_in_dim3A_205 = vector.broadcast %jit3A_204 : f32 to vector<512x1xf32>
    %select_n3A_206 = arith.select %lt3A_203, %broadcast_in_dim3A_205, %concatenate3A_200 : vector<512x1xi1>, vector<512x1xf32>
    %mul3A_207 = arith.mulf %mul3A_172, %select_n3A_206 : vector<512x1xf32>
    %iota3A_208 = tpu.iota {dimensions = array<i32: 0>} : vector<512x768xi32>
    %slice3A_209 = vector.extract_strided_slice %add3A_185 {offsets = [496, 0], sizes = [16, 768], strides = [1, 1]} : vector<512x768xf32> to vector<16x768xf32>
    %slice3A_210 = vector.extract_strided_slice %add3A_185 {offsets = [0, 0], sizes = [496, 768], strides = [1, 1]} : vector<512x768xf32> to vector<496x768xf32>
    %concatenate3A_211 = tpu.concatenate %slice3A_209, %slice3A_210 in 0 : vector<16x768xf32>, vector<496x768xf32> -> vector<512x768xf32>
    %lt3A_212 = arith.constant 16 : i32
    %lt3A_213 = vector.broadcast %lt3A_212 : i32 to vector<512x768xi32>
    %lt3A_214 = arith.cmpi slt, %iota3A_208, %lt3A_213 : vector<512x768xi32>
    %jit3A_215 = arith.constant 0.000000e+00 : f32
    %broadcast_in_dim3A_216 = vector.broadcast %jit3A_215 : f32 to vector<512x768xf32>
    %select_n3A_217 = arith.select %lt3A_214, %broadcast_in_dim3A_216, %concatenate3A_211 : vector<512x768xi1>, vector<512x768xf32>
    %mul3A_218 = vector.broadcast %mul3A_207 : vector<512x1xf32> to vector<512x768xf32>
    %mul3A_219 = arith.mulf %mul3A_218, %select_n3A_217 : vector<512x768xf32>
    %add3A_220 = arith.addf %mul3A_219, %add3A_185 : vector<512x768xf32>
    %iota3A_221 = tpu.iota {dimensions = array<i32: 0>} : vector<512x1xi32>
    %slice3A_222 = vector.extract_strided_slice %add3A_196 {offsets = [496, 0], sizes = [16, 1], strides = [1, 1]} : vector<512x1xi32> to vector<16x1xi32>
    %slice3A_223 = vector.extract_strided_slice %add3A_196 {offsets = [0, 0], sizes = [496, 1], strides = [1, 1]} : vector<512x1xi32> to vector<496x1xi32>
    %concatenate3A_224 = tpu.concatenate %slice3A_222, %slice3A_223 in 0 : vector<16x1xi32>, vector<496x1xi32> -> vector<512x1xi32>
    %lt3A_225 = arith.constant 16 : i32
    %lt3A_226 = vector.broadcast %lt3A_225 : i32 to vector<512x1xi32>
    %lt3A_227 = arith.cmpi slt, %iota3A_221, %lt3A_226 : vector<512x1xi32>
    %jit3A_228 = arith.constant 0 : i32
    %broadcast_in_dim3A_229 = vector.broadcast %jit3A_228 : i32 to vector<512x1xi32>
    %select_n3A_230 = arith.select %lt3A_227, %broadcast_in_dim3A_229, %concatenate3A_224 : vector<512x1xi1>, vector<512x1xi32>
    %add3A_231 = arith.addi %add3A_196, %select_n3A_230 : vector<512x1xi32>
    %iota3A_232 = tpu.iota {dimensions = array<i32: 0>} : vector<512x1xi32>
    %slice3A_233 = vector.extract_strided_slice %mul3A_207 {offsets = [496, 0], sizes = [16, 1], strides = [1, 1]} : vector<512x1xf32> to vector<16x1xf32>
    %slice3A_234 = vector.extract_strided_slice %mul3A_207 {offsets = [0, 0], sizes = [496, 1], strides = [1, 1]} : vector<512x1xf32> to vector<496x1xf32>
    %concatenate3A_235 = tpu.concatenate %slice3A_233, %slice3A_234 in 0 : vector<16x1xf32>, vector<496x1xf32> -> vector<512x1xf32>
    %lt3A_236 = arith.constant 16 : i32
    %lt3A_237 = vector.broadcast %lt3A_236 : i32 to vector<512x1xi32>
    %lt3A_238 = arith.cmpi slt, %iota3A_232, %lt3A_237 : vector<512x1xi32>
    %jit3A_239 = arith.constant 1.000000e+00 : f32
    %broadcast_in_dim3A_240 = vector.broadcast %jit3A_239 : f32 to vector<512x1xf32>
    %select_n3A_241 = arith.select %lt3A_238, %broadcast_in_dim3A_240, %concatenate3A_235 : vector<512x1xi1>, vector<512x1xf32>
    %mul3A_242 = arith.mulf %mul3A_207, %select_n3A_241 : vector<512x1xf32>
    %iota3A_243 = tpu.iota {dimensions = array<i32: 0>} : vector<512x768xi32>
    %slice3A_244 = vector.extract_strided_slice %add3A_220 {offsets = [480, 0], sizes = [32, 768], strides = [1, 1]} : vector<512x768xf32> to vector<32x768xf32>
    %slice3A_245 = vector.extract_strided_slice %add3A_220 {offsets = [0, 0], sizes = [480, 768], strides = [1, 1]} : vector<512x768xf32> to vector<480x768xf32>
    %concatenate3A_246 = tpu.concatenate %slice3A_244, %slice3A_245 in 0 : vector<32x768xf32>, vector<480x768xf32> -> vector<512x768xf32>
    %lt3A_247 = arith.constant 32 : i32
    %lt3A_248 = vector.broadcast %lt3A_247 : i32 to vector<512x768xi32>
    %lt3A_249 = arith.cmpi slt, %iota3A_243, %lt3A_248 : vector<512x768xi32>
    %jit3A_250 = arith.constant 0.000000e+00 : f32
    %broadcast_in_dim3A_251 = vector.broadcast %jit3A_250 : f32 to vector<512x768xf32>
    %select_n3A_252 = arith.select %lt3A_249, %broadcast_in_dim3A_251, %concatenate3A_246 : vector<512x768xi1>, vector<512x768xf32>
    %mul3A_253 = vector.broadcast %mul3A_242 : vector<512x1xf32> to vector<512x768xf32>
    %mul3A_254 = arith.mulf %mul3A_253, %select_n3A_252 : vector<512x768xf32>
    %add3A_255 = arith.addf %mul3A_254, %add3A_220 : vector<512x768xf32>
    %iota3A_256 = tpu.iota {dimensions = array<i32: 0>} : vector<512x1xi32>
    %slice3A_257 = vector.extract_strided_slice %add3A_231 {offsets = [480, 0], sizes = [32, 1], strides = [1, 1]} : vector<512x1xi32> to vector<32x1xi32>
    %slice3A_258 = vector.extract_strided_slice %add3A_231 {offsets = [0, 0], sizes = [480, 1], strides = [1, 1]} : vector<512x1xi32> to vector<480x1xi32>
    %concatenate3A_259 = tpu.concatenate %slice3A_257, %slice3A_258 in 0 : vector<32x1xi32>, vector<480x1xi32> -> vector<512x1xi32>
    %lt3A_260 = arith.constant 32 : i32
    %lt3A_261 = vector.broadcast %lt3A_260 : i32 to vector<512x1xi32>
    %lt3A_262 = arith.cmpi slt, %iota3A_256, %lt3A_261 : vector<512x1xi32>
    %jit3A_263 = arith.constant 0 : i32
    %broadcast_in_dim3A_264 = vector.broadcast %jit3A_263 : i32 to vector<512x1xi32>
    %select_n3A_265 = arith.select %lt3A_262, %broadcast_in_dim3A_264, %concatenate3A_259 : vector<512x1xi1>, vector<512x1xi32>
    %add3A_266 = arith.addi %add3A_231, %select_n3A_265 : vector<512x1xi32>
    %iota3A_267 = tpu.iota {dimensions = array<i32: 0>} : vector<512x1xi32>
    %slice3A_268 = vector.extract_strided_slice %mul3A_242 {offsets = [480, 0], sizes = [32, 1], strides = [1, 1]} : vector<512x1xf32> to vector<32x1xf32>
    %slice3A_269 = vector.extract_strided_slice %mul3A_242 {offsets = [0, 0], sizes = [480, 1], strides = [1, 1]} : vector<512x1xf32> to vector<480x1xf32>
    %concatenate3A_270 = tpu.concatenate %slice3A_268, %slice3A_269 in 0 : vector<32x1xf32>, vector<480x1xf32> -> vector<512x1xf32>
    %lt3A_271 = arith.constant 32 : i32
    %lt3A_272 = vector.broadcast %lt3A_271 : i32 to vector<512x1xi32>
    %lt3A_273 = arith.cmpi slt, %iota3A_267, %lt3A_272 : vector<512x1xi32>
    %jit3A_274 = arith.constant 1.000000e+00 : f32
    %broadcast_in_dim3A_275 = vector.broadcast %jit3A_274 : f32 to vector<512x1xf32>
    %select_n3A_276 = arith.select %lt3A_273, %broadcast_in_dim3A_275, %concatenate3A_270 : vector<512x1xi1>, vector<512x1xf32>
    %mul3A_277 = arith.mulf %mul3A_242, %select_n3A_276 : vector<512x1xf32>
    %iota3A_278 = tpu.iota {dimensions = array<i32: 0>} : vector<512x768xi32>
    %slice3A_279 = vector.extract_strided_slice %add3A_255 {offsets = [448, 0], sizes = [64, 768], strides = [1, 1]} : vector<512x768xf32> to vector<64x768xf32>
    %slice3A_280 = vector.extract_strided_slice %add3A_255 {offsets = [0, 0], sizes = [448, 768], strides = [1, 1]} : vector<512x768xf32> to vector<448x768xf32>
    %concatenate3A_281 = tpu.concatenate %slice3A_279, %slice3A_280 in 0 : vector<64x768xf32>, vector<448x768xf32> -> vector<512x768xf32>
    %lt3A_282 = arith.constant 64 : i32
    %lt3A_283 = vector.broadcast %lt3A_282 : i32 to vector<512x768xi32>
    %lt3A_284 = arith.cmpi slt, %iota3A_278, %lt3A_283 : vector<512x768xi32>
    %jit3A_285 = arith.constant 0.000000e+00 : f32
    %broadcast_in_dim3A_286 = vector.broadcast %jit3A_285 : f32 to vector<512x768xf32>
    %select_n3A_287 = arith.select %lt3A_284, %broadcast_in_dim3A_286, %concatenate3A_281 : vector<512x768xi1>, vector<512x768xf32>
    %mul3A_288 = vector.broadcast %mul3A_277 : vector<512x1xf32> to vector<512x768xf32>
    %mul3A_289 = arith.mulf %mul3A_288, %select_n3A_287 : vector<512x768xf32>
    %add3A_290 = arith.addf %mul3A_289, %add3A_255 : vector<512x768xf32>
    %iota3A_291 = tpu.iota {dimensions = array<i32: 0>} : vector<512x1xi32>
    %slice3A_292 = vector.extract_strided_slice %add3A_266 {offsets = [448, 0], sizes = [64, 1], strides = [1, 1]} : vector<512x1xi32> to vector<64x1xi32>
    %slice3A_293 = vector.extract_strided_slice %add3A_266 {offsets = [0, 0], sizes = [448, 1], strides = [1, 1]} : vector<512x1xi32> to vector<448x1xi32>
    %concatenate3A_294 = tpu.concatenate %slice3A_292, %slice3A_293 in 0 : vector<64x1xi32>, vector<448x1xi32> -> vector<512x1xi32>
    %lt3A_295 = arith.constant 64 : i32
    %lt3A_296 = vector.broadcast %lt3A_295 : i32 to vector<512x1xi32>
    %lt3A_297 = arith.cmpi slt, %iota3A_291, %lt3A_296 : vector<512x1xi32>
    %jit3A_298 = arith.constant 0 : i32
    %broadcast_in_dim3A_299 = vector.broadcast %jit3A_298 : i32 to vector<512x1xi32>
    %select_n3A_300 = arith.select %lt3A_297, %broadcast_in_dim3A_299, %concatenate3A_294 : vector<512x1xi1>, vector<512x1xi32>
    %add3A_301 = arith.addi %add3A_266, %select_n3A_300 : vector<512x1xi32>
    %iota3A_302 = tpu.iota {dimensions = array<i32: 0>} : vector<512x1xi32>
    %slice3A_303 = vector.extract_strided_slice %mul3A_277 {offsets = [448, 0], sizes = [64, 1], strides = [1, 1]} : vector<512x1xf32> to vector<64x1xf32>
    %slice3A_304 = vector.extract_strided_slice %mul3A_277 {offsets = [0, 0], sizes = [448, 1], strides = [1, 1]} : vector<512x1xf32> to vector<448x1xf32>
    %concatenate3A_305 = tpu.concatenate %slice3A_303, %slice3A_304 in 0 : vector<64x1xf32>, vector<448x1xf32> -> vector<512x1xf32>
    %lt3A_306 = arith.constant 64 : i32
    %lt3A_307 = vector.broadcast %lt3A_306 : i32 to vector<512x1xi32>
    %lt3A_308 = arith.cmpi slt, %iota3A_302, %lt3A_307 : vector<512x1xi32>
    %jit3A_309 = arith.constant 1.000000e+00 : f32
    %broadcast_in_dim3A_310 = vector.broadcast %jit3A_309 : f32 to vector<512x1xf32>
    %select_n3A_311 = arith.select %lt3A_308, %broadcast_in_dim3A_310, %concatenate3A_305 : vector<512x1xi1>, vector<512x1xf32>
    %mul3A_312 = arith.mulf %mul3A_277, %select_n3A_311 : vector<512x1xf32>
    %iota3A_313 = tpu.iota {dimensions = array<i32: 0>} : vector<512x768xi32>
    %slice3A_314 = vector.extract_strided_slice %add3A_290 {offsets = [384, 0], sizes = [128, 768], strides = [1, 1]} : vector<512x768xf32> to vector<128x768xf32>
    %slice3A_315 = vector.extract_strided_slice %add3A_290 {offsets = [0, 0], sizes = [384, 768], strides = [1, 1]} : vector<512x768xf32> to vector<384x768xf32>
    %concatenate3A_316 = tpu.concatenate %slice3A_314, %slice3A_315 in 0 : vector<128x768xf32>, vector<384x768xf32> -> vector<512x768xf32>
    %lt3A_317 = arith.constant 128 : i32
    %lt3A_318 = vector.broadcast %lt3A_317 : i32 to vector<512x768xi32>
    %lt3A_319 = arith.cmpi slt, %iota3A_313, %lt3A_318 : vector<512x768xi32>
    %jit3A_320 = arith.constant 0.000000e+00 : f32
    %broadcast_in_dim3A_321 = vector.broadcast %jit3A_320 : f32 to vector<512x768xf32>
    %select_n3A_322 = arith.select %lt3A_319, %broadcast_in_dim3A_321, %concatenate3A_316 : vector<512x768xi1>, vector<512x768xf32>
    %mul3A_323 = vector.broadcast %mul3A_312 : vector<512x1xf32> to vector<512x768xf32>
    %mul3A_324 = arith.mulf %mul3A_323, %select_n3A_322 : vector<512x768xf32>
    %add3A_325 = arith.addf %mul3A_324, %add3A_290 : vector<512x768xf32>
    %iota3A_326 = tpu.iota {dimensions = array<i32: 0>} : vector<512x1xi32>
    %slice3A_327 = vector.extract_strided_slice %add3A_301 {offsets = [384, 0], sizes = [128, 1], strides = [1, 1]} : vector<512x1xi32> to vector<128x1xi32>
    %slice3A_328 = vector.extract_strided_slice %add3A_301 {offsets = [0, 0], sizes = [384, 1], strides = [1, 1]} : vector<512x1xi32> to vector<384x1xi32>
    %concatenate3A_329 = tpu.concatenate %slice3A_327, %slice3A_328 in 0 : vector<128x1xi32>, vector<384x1xi32> -> vector<512x1xi32>
    %lt3A_330 = arith.constant 128 : i32
    %lt3A_331 = vector.broadcast %lt3A_330 : i32 to vector<512x1xi32>
    %lt3A_332 = arith.cmpi slt, %iota3A_326, %lt3A_331 : vector<512x1xi32>
    %jit3A_333 = arith.constant 0 : i32
    %broadcast_in_dim3A_334 = vector.broadcast %jit3A_333 : i32 to vector<512x1xi32>
    %select_n3A_335 = arith.select %lt3A_332, %broadcast_in_dim3A_334, %concatenate3A_329 : vector<512x1xi1>, vector<512x1xi32>
    %add3A_336 = arith.addi %add3A_301, %select_n3A_335 : vector<512x1xi32>
    %iota3A_337 = tpu.iota {dimensions = array<i32: 0>} : vector<512x1xi32>
    %slice3A_338 = vector.extract_strided_slice %mul3A_312 {offsets = [384, 0], sizes = [128, 1], strides = [1, 1]} : vector<512x1xf32> to vector<128x1xf32>
    %slice3A_339 = vector.extract_strided_slice %mul3A_312 {offsets = [0, 0], sizes = [384, 1], strides = [1, 1]} : vector<512x1xf32> to vector<384x1xf32>
    %concatenate3A_340 = tpu.concatenate %slice3A_338, %slice3A_339 in 0 : vector<128x1xf32>, vector<384x1xf32> -> vector<512x1xf32>
    %lt3A_341 = arith.constant 128 : i32
    %lt3A_342 = vector.broadcast %lt3A_341 : i32 to vector<512x1xi32>
    %lt3A_343 = arith.cmpi slt, %iota3A_337, %lt3A_342 : vector<512x1xi32>
    %jit3A_344 = arith.constant 1.000000e+00 : f32
    %broadcast_in_dim3A_345 = vector.broadcast %jit3A_344 : f32 to vector<512x1xf32>
    %select_n3A_346 = arith.select %lt3A_343, %broadcast_in_dim3A_345, %concatenate3A_340 : vector<512x1xi1>, vector<512x1xf32>
    %mul3A_347 = arith.mulf %mul3A_312, %select_n3A_346 : vector<512x1xf32>
    %iota3A_348 = tpu.iota {dimensions = array<i32: 0>} : vector<512x768xi32>
    %slice3A_349 = vector.extract_strided_slice %add3A_325 {offsets = [256, 0], sizes = [256, 768], strides = [1, 1]} : vector<512x768xf32> to vector<256x768xf32>
    %slice3A_350 = vector.extract_strided_slice %add3A_325 {offsets = [0, 0], sizes = [256, 768], strides = [1, 1]} : vector<512x768xf32> to vector<256x768xf32>
    %concatenate3A_351 = tpu.concatenate %slice3A_349, %slice3A_350 in 0 : vector<256x768xf32>, vector<256x768xf32> -> vector<512x768xf32>
    %lt3A_352 = arith.constant 256 : i32
    %lt3A_353 = vector.broadcast %lt3A_352 : i32 to vector<512x768xi32>
    %lt3A_354 = arith.cmpi slt, %iota3A_348, %lt3A_353 : vector<512x768xi32>
    %jit3A_355 = arith.constant 0.000000e+00 : f32
    %broadcast_in_dim3A_356 = vector.broadcast %jit3A_355 : f32 to vector<512x768xf32>
    %select_n3A_357 = arith.select %lt3A_354, %broadcast_in_dim3A_356, %concatenate3A_351 : vector<512x768xi1>, vector<512x768xf32>
    %mul3A_358 = vector.broadcast %mul3A_347 : vector<512x1xf32> to vector<512x768xf32>
    %mul3A_359 = arith.mulf %mul3A_358, %select_n3A_357 : vector<512x768xf32>
    %add3A_360 = arith.addf %mul3A_359, %add3A_325 : vector<512x768xf32>
    %iota3A_361 = tpu.iota {dimensions = array<i32: 0>} : vector<512x1xi32>
    %slice3A_362 = vector.extract_strided_slice %add3A_336 {offsets = [256, 0], sizes = [256, 1], strides = [1, 1]} : vector<512x1xi32> to vector<256x1xi32>
    %slice3A_363 = vector.extract_strided_slice %add3A_336 {offsets = [0, 0], sizes = [256, 1], strides = [1, 1]} : vector<512x1xi32> to vector<256x1xi32>
    %concatenate3A_364 = tpu.concatenate %slice3A_362, %slice3A_363 in 0 : vector<256x1xi32>, vector<256x1xi32> -> vector<512x1xi32>
    %lt3A_365 = arith.constant 256 : i32
    %lt3A_366 = vector.broadcast %lt3A_365 : i32 to vector<512x1xi32>
    %lt3A_367 = arith.cmpi slt, %iota3A_361, %lt3A_366 : vector<512x1xi32>
    %jit3A_368 = arith.constant 0 : i32
    %broadcast_in_dim3A_369 = vector.broadcast %jit3A_368 : i32 to vector<512x1xi32>
    %select_n3A_370 = arith.select %lt3A_367, %broadcast_in_dim3A_369, %concatenate3A_364 : vector<512x1xi1>, vector<512x1xi32>
    %add3A_371 = arith.addi %add3A_336, %select_n3A_370 : vector<512x1xi32>
    %iota3A_372 = tpu.iota {dimensions = array<i32: 0>} : vector<512x1xi32>
    %slice3A_373 = vector.extract_strided_slice %mul3A_347 {offsets = [256, 0], sizes = [256, 1], strides = [1, 1]} : vector<512x1xf32> to vector<256x1xf32>
    %slice3A_374 = vector.extract_strided_slice %mul3A_347 {offsets = [0, 0], sizes = [256, 1], strides = [1, 1]} : vector<512x1xf32> to vector<256x1xf32>
    %concatenate3A_375 = tpu.concatenate %slice3A_373, %slice3A_374 in 0 : vector<256x1xf32>, vector<256x1xf32> -> vector<512x1xf32>
    %lt3A_376 = arith.constant 256 : i32
    %lt3A_377 = vector.broadcast %lt3A_376 : i32 to vector<512x1xi32>
    %lt3A_378 = arith.cmpi slt, %iota3A_372, %lt3A_377 : vector<512x1xi32>
    %jit3A_379 = arith.constant 1.000000e+00 : f32
    %broadcast_in_dim3A_380 = vector.broadcast %jit3A_379 : f32 to vector<512x1xf32>
    %select_n3A_381 = arith.select %lt3A_378, %broadcast_in_dim3A_380, %concatenate3A_375 : vector<512x1xi1>, vector<512x1xf32>
    %mul3A_382 = arith.mulf %mul3A_347, %select_n3A_381 : vector<512x1xf32>
    %get3A_383 = arith.constant 0 : index
    %get3A_384 = arith.constant 0 : index
    %get3A_385 = vector.load %arg8[%get3A_383, %get3A_384] : memref<8x768xf32, #tpu.memory_space<vmem>>, vector<1x768xf32>
    %mul3A_386 = vector.broadcast %mul3A_382 : vector<512x1xf32> to vector<512x768xf32>
    %mul3A_387 = vector.broadcast %get3A_385 : vector<1x768xf32> to vector<512x768xf32>
    %mul3A_388 = arith.mulf %mul3A_386, %mul3A_387 : vector<512x768xf32>
    %add3A_389 = arith.addf %add3A_360, %mul3A_388 : vector<512x768xf32>
    %swap3A = arith.constant 0 : index
    %swap3A_390 = arith.constant 0 : index
    %swap3A_391 = arith.constant 0 : index
    %swap3A_392 = vector.load %arg5[%swap3A, %swap3A_390, %swap3A_391] : memref<1x512x768xf32, #tpu.memory_space<vmem>>, vector<1x512x768xf32>
    %swap3A_393 = vector.shape_cast %swap3A_392 : vector<1x512x768xf32> to vector<512x768xf32>
    %swap3A_394 = vector.shape_cast %add3A_389 : vector<512x768xf32> to vector<1x512x768xf32>
    tpu.vector_store %arg5[%swap3A, %swap3A_390, %swap3A_391], %swap3A_394 {strides = array<i32>} : memref<1x512x768xf32, #tpu.memory_space<vmem>>, vector<1x512x768xf32>,
    %slice3A_395 = vector.extract_strided_slice %slice3A_10 {offsets = [511, 0], sizes = [1, 128], strides = [1, 1]} : vector<512x128xf32> to vector<1x128xf32>
    %swap3A_396 = arith.constant 0 : index
    %swap3A_397 = arith.constant 0 : index
    %swap3A_398 = vector.load %arg7[%swap3A_396, %swap3A_397] : memref<8x128xf32, #tpu.memory_space<vmem>>, vector<1x128xf32>
    tpu.vector_store %arg7[%swap3A_396, %swap3A_397], %slice3A_395 {strides = array<i32>} : memref<8x128xf32, #tpu.memory_space<vmem>>, vector<1x128xf32>,
    %slice3A_399 = vector.extract_strided_slice %add3A_389 {offsets = [511, 0], sizes = [1, 768], strides = [1, 1]} : vector<512x768xf32> to vector<1x768xf32>
    %swap3A_400 = arith.constant 0 : index
    %swap3A_401 = arith.constant 0 : index
    %swap3A_402 = vector.load %arg8[%swap3A_400, %swap3A_401] : memref<8x768xf32, #tpu.memory_space<vmem>>, vector<1x768xf32>
    tpu.vector_store %arg8[%swap3A_400, %swap3A_401], %slice3A_399 {strides = array<i32>} : memref<8x768xf32, #tpu.memory_space<vmem>>, vector<1x768xf32>,
    %sub3A_403 = arith.constant 1 : i32
    %sub3A_404 = vector.broadcast %sub3A_403 : i32 to vector<512x1xi32>
    %sub3A_405 = arith.subi %add3A_371, %sub3A_404 : vector<512x1xi32>
    %iota3A_406 = tpu.iota {dimensions = array<i32: 1>} : vector<1x512xi32>
    %eq3A_407 = vector.broadcast %sub3A_405 : vector<512x1xi32> to vector<512x512xi32>
    %eq3A_408 = vector.broadcast %iota3A_406 : vector<1x512xi32> to vector<512x512xi32>
    %eq3A_409 = arith.cmpi eq, %eq3A_407, %eq3A_408 : vector<512x512xi32>
    %and3A_410 = vector.broadcast %or3A : vector<512x1xi1> to vector<512x512xi1>
    %and3A_411 = arith.andi %and3A_410, %eq3A_409 : vector<512x512xi1>
    %convert_element_type3A_412 = arith.extui %and3A_411 : vector<512x512xi1> to vector<512x512xi32>
    %convert_element_type3A_413 = arith.sitofp %convert_element_type3A_412 : vector<512x512xi32> to vector<512x512xf32>
    %mul3A_414 = arith.constant 8192 : i32
    %mul3A_415 = arith.muli %arg0, %mul3A_414 : i32
    %mul3A_416 = arith.constant 512 : i32
    %mul3A_417 = arith.muli %arg1, %mul3A_416 : i32
    %add3A_418 = arith.addi %mul3A_415, %mul3A_417 : i32
    %add3A_419 = vector.broadcast %add3A_418 : i32 to vector<1x512xi32>
    %add3A_420 = arith.addi %add3A_419, %iota3A_406 : vector<1x512xi32>
    %shift_right_arithmetic3A = arith.constant 8 : i32
    %shift_right_arithmetic3A_421 = vector.broadcast %shift_right_arithmetic3A : i32 to vector<1x512xi32>
    %shift_right_arithmetic3A_422 = arith.shrsi %add3A_420, %shift_right_arithmetic3A_421 : vector<1x512xi32>
    %convert_element_type3A_423 = arith.sitofp %shift_right_arithmetic3A_422 : vector<1x512xi32> to vector<1x512xf32>
    %and3A_424 = arith.constant 255 : i32
    %and3A_425 = vector.broadcast %and3A_424 : i32 to vector<1x512xi32>
    %and3A_426 = arith.andi %add3A_420, %and3A_425 : vector<1x512xi32>
    %convert_element_type3A_427 = arith.sitofp %and3A_426 : vector<1x512xi32> to vector<1x512xf32>
    %concatenate3A_428 = tpu.concatenate %convert_element_type3A_423, %convert_element_type3A_427 in 0 : vector<1x512xf32>, vector<1x512xf32> -> vector<2x512xf32>
    %dot_general3A_429 = arith.constant dense<0.000000e+00> : vector<2x512xf32>
    %dot_general3A_430 = tpu.matmul %concatenate3A_428, %convert_element_type3A_413, %dot_general3A_429 {dimension_numbers = #tpu.dot_dimension_numbers<[1], [0], [0], [1], [0, 0, 1, 1], [], []>, transpose_lhs_hint = false} : vector<2x512xf32>, vector<512x512xf32>, vector<2x512xf32> -> vector<2x512xf32>
    %slice3A_431 = vector.extract_strided_slice %dot_general3A_430 {offsets = [0, 0], sizes = [1, 512], strides = [1, 1]} : vector<2x512xf32> to vector<1x512xf32>
    %mul3A_432 = arith.constant 2.560000e+02 : f32
    %mul3A_433 = vector.broadcast %mul3A_432 : f32 to vector<1x512xf32>
    %mul3A_434 = arith.mulf %slice3A_431, %mul3A_433 : vector<1x512xf32>
    %slice3A_435 = vector.extract_strided_slice %dot_general3A_430 {offsets = [1, 0], sizes = [1, 512], strides = [1, 1]} : vector<2x512xf32> to vector<1x512xf32>
    %add3A_436 = arith.addf %mul3A_434, %slice3A_435 : vector<1x512xf32>
    %add3A_437 = arith.constant 5.000000e-01 : f32
    %add3A_438 = vector.broadcast %add3A_437 : f32 to vector<1x512xf32>
    %add3A_439 = arith.addf %add3A_436, %add3A_438 : vector<1x512xf32>
    %convert_element_type3A_440 = arith.fptosi %add3A_439 : vector<1x512xf32> to vector<1x512xi32>
    %get3A_441 = arith.constant 0 : index
    %get3A_442 = memref.load %arg9[%get3A_441] : memref<4xi32, #tpu.memory_space<smem>>
    %iota3A_443 = tpu.iota {dimensions = array<i32: 1>} : vector<1x8192xi32>
    %jit3A_444 = arith.constant 0 : i32
    %pad3A = vector.broadcast %jit3A_444 : i32 to vector<1x7680xi32>
    %pad3A_445 = tpu.concatenate %convert_element_type3A_440, %pad3A in 1 : vector<1x512xi32>, vector<1x7680xi32> -> vector<1x8192xi32>
    %roll3A = tpu.dynamic_rotate %pad3A_445 by %get3A_442 dim 1 : vector<1x8192xi32>, i32 -> vector<1x8192xi32>
    %ge3A = vector.broadcast %get3A_442 : i32 to vector<1x8192xi32>
    %ge3A_446 = arith.cmpi sge, %iota3A_443, %ge3A : vector<1x8192xi32>
    %add3A_447 = arith.constant 512 : i32
    %add3A_448 = arith.addi %get3A_442, %add3A_447 : i32
    %lt3A_449 = vector.broadcast %add3A_448 : i32 to vector<1x8192xi32>
    %lt3A_450 = arith.cmpi slt, %iota3A_443, %lt3A_449 : vector<1x8192xi32>
    %and3A_451 = arith.andi %ge3A_446, %lt3A_450 : vector<1x8192xi1>
    %get3A_452 = arith.constant 0 : index
    %get3A_453 = arith.constant 0 : index
    %get3A_454 = arith.constant 0 : index
    %get3A_455 = vector.load %arg6[%get3A_452, %get3A_453, %get3A_454] : memref<1x1x8192xi32, #tpu.memory_space<vmem>>, vector<1x1x8192xi32>
    %get3A_456 = vector.shape_cast %get3A_455 : vector<1x1x8192xi32> to vector<1x8192xi32>
    %select_n3A_457 = arith.select %and3A_451, %roll3A, %get3A_456 : vector<1x8192xi1>, vector<1x8192xi32>
    %swap3A_458 = arith.constant 0 : index
    %swap3A_459 = arith.constant 0 : index
    %swap3A_460 = arith.constant 0 : index
    %swap3A_461 = vector.load %arg6[%swap3A_458, %swap3A_459, %swap3A_460] : memref<1x1x8192xi32, #tpu.memory_space<vmem>>, vector<1x1x8192xi32>
    %swap3A_462 = vector.shape_cast %swap3A_461 : vector<1x1x8192xi32> to vector<1x8192xi32>
    %swap3A_463 = vector.shape_cast %select_n3A_457 : vector<1x8192xi32> to vector<1x1x8192xi32>
    tpu.vector_store %arg6[%swap3A_458, %swap3A_459, %swap3A_460], %swap3A_463 {strides = array<i32>} : memref<1x1x8192xi32, #tpu.memory_space<vmem>>, vector<1x1x8192xi32>,
    %mul3A_464 = arith.constant 8192 : i32
    %mul3A_465 = arith.muli %arg0, %mul3A_464 : i32
    %mul3A_466 = arith.constant 512 : i32
    %mul3A_467 = arith.muli %arg1, %mul3A_466 : i32
    %add3A_468 = arith.addi %mul3A_465, %mul3A_467 : i32
    %add3A_469 = vector.broadcast %add3A_468 : i32 to vector<512x1xi32>
    %add3A_470 = arith.addi %add3A_469, %iota3A_15 : vector<512x1xi32>
    %convert_element_type3A_471 = arith.extui %or3A : vector<512x1xi1> to vector<512x1xi32>
    %reduce_sum3A_472 = vector.shape_cast %convert_element_type3A_471 : vector<512x1xi32> to vector<1x512x1xi32>
    %reduce_sum3A_473 = arith.constant dense<0> : vector<1xi32>
    %reduce_sum3A_474 = vector.multi_reduction <add>, %reduce_sum3A_472, %reduce_sum3A_473 [1, 2] : vector<1x512x1xi32> to vector<1xi32>
    %reduce_sum3A_475 = vector.shape_cast %reduce_sum3A_474 : vector<1xi32> to vector<1x1x1xi32>
    %reduce_sum3A_476 = vector.extract %reduce_sum3A_475[0, 0, 0] : i32 from vector<1x1x1xi32>
    %jit3A_477 = arith.constant -1 : i32
    %broadcast_in_dim3A_478 = vector.broadcast %jit3A_477 : i32 to vector<512x1xi32>
    %select_n3A_479 = arith.select %or3A, %add3A_470, %broadcast_in_dim3A_478 : vector<512x1xi1>, vector<512x1xi32>
    %reduce_max3A = vector.shape_cast %select_n3A_479 : vector<512x1xi32> to vector<1x512x1xi32>
    %reduce_max3A_480 = arith.constant dense<-2147483648> : vector<1xi32>
    %reduce_max3A_481 = vector.multi_reduction <maxsi>, %reduce_max3A, %reduce_max3A_480 [1, 2] : vector<1x512x1xi32> to vector<1xi32>
    %reduce_max3A_482 = vector.shape_cast %reduce_max3A_481 : vector<1xi32> to vector<1x1x1xi32>
    %reduce_max3A_483 = vector.extract %reduce_max3A_482[0, 0, 0] : i32 from vector<1x1x1xi32>
    %add3A_484 = arith.addi %get3A_442, %reduce_sum3A_476 : i32
    %swap3A_485 = arith.constant 0 : index
    %swap3A_486 = memref.load %arg9[%swap3A_485] : memref<4xi32, #tpu.memory_space<smem>>
    memref.store %add3A_484, %arg9[%swap3A_485] : memref<4xi32, #tpu.memory_space<smem>>
    %get3A_487 = arith.constant 1 : index
    %get3A_488 = memref.load %arg9[%get3A_487] : memref<4xi32, #tpu.memory_space<smem>>
    %max3A_489 = arith.maxsi %get3A_488, %reduce_max3A_483 : i32
    %swap3A_490 = arith.constant 1 : index
    %swap3A_491 = memref.load %arg9[%swap3A_490] : memref<4xi32, #tpu.memory_space<smem>>
    memref.store %max3A_489, %arg9[%swap3A_490] : memref<4xi32, #tpu.memory_space<smem>>
    %eq3A_492 = arith.constant 15 : i32
    %eq3A_493 = arith.cmpi eq, %arg1, %eq3A_492 : i32
    %convert_element_type3A_494 = arith.extui %eq3A_493 : i1 to i32
    %cond3A_495 = arith.constant 0 : i32
    %cond3A_496 = arith.cmpi ne, %convert_element_type3A_494, %cond3A_495 : i32
    scf.if %cond3A_496 {
      %get3A_497 = arith.constant 0 : index
      %get3A_498 = memref.load %arg9[%get3A_497] : memref<4xi32, #tpu.memory_space<smem>>
      %get3A_499 = arith.constant 1 : index
      %get3A_500 = memref.load %arg9[%get3A_499] : memref<4xi32, #tpu.memory_space<smem>>
      %iota3A_501 = tpu.iota {dimensions = array<i32: 1>} : vector<1x8192xi32>
      %ge3A_502 = vector.broadcast %get3A_498 : i32 to vector<1x8192xi32>
      %ge3A_503 = arith.cmpi sge, %iota3A_501, %ge3A_502 : vector<1x8192xi32>
      %get3A_504 = arith.constant 0 : index
      %get3A_505 = arith.constant 0 : index
      %get3A_506 = arith.constant 0 : index
      %get3A_507 = vector.load %arg6[%get3A_504, %get3A_505, %get3A_506] : memref<1x1x8192xi32, #tpu.memory_space<vmem>>, vector<1x1x8192xi32>
      %get3A_508 = vector.shape_cast %get3A_507 : vector<1x1x8192xi32> to vector<1x8192xi32>
      %broadcast_in_dim3A_509 = vector.broadcast %get3A_500 : i32 to vector<1x8192xi32>
      %select_n3A_510 = arith.select %ge3A_503, %broadcast_in_dim3A_509, %get3A_508 : vector<1x8192xi1>, vector<1x8192xi32>
      %swap3A_511 = arith.constant 0 : index
      %swap3A_512 = arith.constant 0 : index
      %swap3A_513 = arith.constant 0 : index
      %swap3A_514 = vector.load %arg6[%swap3A_511, %swap3A_512, %swap3A_513] : memref<1x1x8192xi32, #tpu.memory_space<vmem>>, vector<1x1x8192xi32>
      %swap3A_515 = vector.shape_cast %swap3A_514 : vector<1x1x8192xi32> to vector<1x8192xi32>
      %swap3A_516 = vector.shape_cast %select_n3A_510 : vector<1x8192xi32> to vector<1x1x8192xi32>
      tpu.vector_store %arg6[%swap3A_511, %swap3A_512, %swap3A_513], %swap3A_516 {strides = array<i32>} : memref<1x1x8192xi32, #tpu.memory_space<vmem>>, vector<1x1x8192xi32>,
    } else {
    }
    return
  }
  func.func @transform_0(%arg0: i32, %arg1: i32) -> (i32, i32, i32) {
    %c0_i32 = arith.constant 0 : i32
    %c0_i32_0 = arith.constant 0 : i32
    return %arg0, %arg1, %c0_i32 : i32, i32, i32
  }
  func.func @transform_1(%arg0: i32, %arg1: i32) -> (i32, i32) {
    %c0_i32 = arith.constant 0 : i32
    %c0_i32_0 = arith.constant 0 : i32
    %c0_i32_1 = arith.constant 0 : i32
    return %c0_i32, %c0_i32_0 : i32, i32
  }
  func.func @transform_2(%arg0: i32, %arg1: i32) -> (i32, i32) {
    %c0_i32 = arith.constant 0 : i32
    %c0_i32_0 = arith.constant 0 : i32
    %c0_i32_1 = arith.constant 0 : i32
    return %c0_i32, %c0_i32_0 : i32, i32
  }
  func.func @transform_3(%arg0: i32, %arg1: i32) -> (i32, i32, i32) {
    %c0_i32 = arith.constant 0 : i32
    %c0_i32_0 = arith.constant 0 : i32
    return %arg0, %arg1, %c0_i32 : i32, i32, i32
  }
  func.func @transform_4(%arg0: i32, %arg1: i32) -> (i32, i32, i32) {
    %c0_i32 = arith.constant 0 : i32
    %c0_i32_0 = arith.constant 0 : i32
    %c0_i32_1 = arith.constant 0 : i32
    return %arg0, %c0_i32, %c0_i32_0 : i32, i32, i32
  }
}

</mosaic_0001>

<sc_bundles>
// kernel: kernel.4.cloned.1.call-start
scs
__scs_entry_jumppad:
0x0: {  	(pc) =	sbr.rel $0x88, $3  }
0x1: {  	(tag) =	ssettag $0x0;
	lr =	simm.s32 $0x1  }
0x2: {  	[smem:$0x3F9E] =	sst lr;
	_ =	strace $0xD0000000  }
0x3: {  	_ = 	snop  }
0x4: {  	_ = 	snop  }
0x5: {  	_ = 	snop  }
0x6: {  	_ = 	snop  }
0x7: {  	_ = 	snop  }
__scs_overlays_trampoline_lowered:
0x8: {  	[smem:$0x3FAD] =	sst s0  }
0x9: {  	[smem:$0x3FAE] =	sst s1  }
0xa: {  	[smem:$0x3FAF] =	sst s2  }
0xb: {  	[smem:$0x3FB0] =	sst s3  }
0xc: {  	[smem:$0x3FB1] =	sst s4  }
0xd: {  	[smem:$0x3FB2] =	sst s5  }
0xe: {  	[smem:$0x3FB3] =	sst s6  }
0xf: {  	[smem:$0x3FB4] =	sst s7  }
0x10: {  	[smem:$0x3FB5] =	sst s8  }
0x11: {  	[smem:$0x3FB6] =	sst s9;
	s0 =	simm.s32 @!p0 $0x0  }
0x12: {  	s1 =	sld [smem:$0x3F9C];
	s0 =	simm.s32 @p0 $0x1  }
0x13: {  	[smem:$0x3FB7] =	sst s0;
	s0 =	simm.s32 @!p1 $0x0  }
0x14: {  	s2 =	sld [smem:$0x3F9B];
	s0 =	simm.s32 @p1 $0x1  }
0x15: {  	[smem:$0x3FB8] =	sst s0;
	s0 =	simm.s32 @!p2 $0x0  }
0x16: {  	s3 =	sld [smem:$0x3FDB];
	s0 =	simm.s32 @p2 $0x1  }
0x17: {  	s4 =	simm.s32 $0x1BF5;
	[smem:$0x3FBA] =	sst s0  }
0x18: {  	s0 =	sld [smem:$0x3F9D];
	_ =	swait.ge [sflag:s4], $0x0  }
0x19: {  	s7 =	sld [smem:$0x3F9E]  }
0x1a: {  	s8 =	sadd.s32 $0xFFFFE003, lr  }
0x1b: {  	s9 =	sadd.s32 $0xFFFFFEF7, lr;
	s5 =	simm.s32 $0xFFFFFFFF;
	p2 =	slt.u32 s8, $0xFFFFF086  }
0x1c: {  	p1 =	slt.u32 s9, $0xF7A;
	s5 =	simm.s32 @!p2 $0x0  }
0x1d: {  	s5 =	simm.s32 @p1 $0x1;
	p0 =	seq.s32 s7, s2  }
0x1e: {  	s7 =	smul.u32 @!p0 $0xF7A, s2;
	p2 =	seq.s32 @!p0 s5, $0x0  }
0x1f: {  	s9 =	smul.u32 $0xF7A, s1;
	s8 =	simm.s32 @!p0 $0x1BF5;
	p2 =	por !p2, p0  }
0x20: {  	[sflag:s8] =	ssyncset.s32 @!p0 $0xFFFFF086;
	s6 =	sadd.s32 @!p0 s3, s7;
	s7 =	simm.s32 @!p0 $0x108  }
0x21: {  	s3 =	sadd.s32 s3, s9;
	s6 =	sadd.s32 @!p0 $0x88, s6;
	s7 =	simm.s32 @p2 $0x1082  }
0x22: {  	[simem:s7], [sflag:s8] =	dma.local @!p0 [hbm:s6], $0xF7A  }
0x23: {  	s9 =	sor.u32 $0xD0000000, s2;
	s6 =	simm.s32 $0x108;
	_ =	swait.ge @!p0 [sflag:s8], $0x0  }
0x24: {  	s3 =	sadd.s32 $0x88, s3;
	s6 =	simm.s32 @!p1 $0x1082;
	[sflag:s4] =	ssyncset.s32 $0xFFFFF086  }
0x25: {  	[simem:s6], [sflag:s4] =	dma.local [hbm:s3], $0xF7A  }
0x26: {  	[smem:$0x3F9E] =	sst s1;
	(tag) =	ssettag s2;
	_ =	strace s9  }
0x27: {  	s1 =	sld [smem:$0x3FAE]  }
0x28: {  	s2 =	sld [smem:$0x3FAF]  }
0x29: {  	s4 =	sld [smem:$0x3FB1]  }
0x2a: {  	p0 =	seq.s32 s5, $0x0;
	s5 =	sld [smem:$0x3FB2]  }
0x2b: {  	s6 =	sld [smem:$0x3FB3]  }
0x2c: {  	s7 =	sld [smem:$0x3FB4]  }
0x2d: {  	s3 =	simm.s32 $0x108;
	s8 =	sld [smem:$0x3FB5]  }
0x2e: {  	s3 =	simm.s32 @!p0 $0x1082;
	s9 =	sld [smem:$0x3FB6]  }
0x2f: {  	lr =	sadd.s32 s0, s3;
	s0 =	sld [smem:$0x3FAD]  }
0x30: {  	s3 =	sld [smem:$0x3FB0]  }
0x31: {  	[smem:$0x3FB9] =	sst s10  }
0x32: {  	s10 =	sld [smem:$0x3FB7];
	_ =	sdelay $0x3  }
0x33: {  	p0 =	seq.s32 s10, $0x1;
	s10 =	sld [smem:$0x3FB9];
	_ =	sdelay $0x3  }
0x34: {  	[smem:$0x3FB9] =	sst s10  }
0x35: {  	s10 =	sld [smem:$0x3FB8];
	_ =	sdelay $0x3  }
0x36: {  	p1 =	seq.s32 s10, $0x1;
	s10 =	sld [smem:$0x3FB9];
	_ =	sdelay $0x3  }
0x37: {  	[smem:$0x3FB9] =	sst s10  }
0x38: {  	s10 =	sld [smem:$0x3FBA]  }
0x39: {  	_ = 	snop;
	(pc) =	sbr.ind lr, $3  }
0x3a: {  	_ = 	snop  }
0x3b: {  	_ = 	snop  }
0x3c: {  	p2 =	seq.s32 s10, $0x1;
	s10 =	sld [smem:$0x3FB9]  }
0x3d: {  	_ =	shalt  }
0x3e: {  	_ =	shalt  }
0x3f: {  	_ =	shalt  }
0x40: {  	_ =	shalt  }
0x41: {  	_ =	shalt  }
0x42: {  	_ =	shalt  }
0x43: {  	_ =	shalt  }
0x44: {  	_ =	shalt  }
0x45: {  	_ =	shalt  }
0x46: {  	_ =	shalt  }
0x47: {  	_ =	shalt  }
0x48: {  	_ =	shalt  }
0x49: {  	_ =	shalt  }
0x4a: {  	_ =	shalt  }
0x4b: {  	_ =	shalt  }
0x4c: {  	_ =	shalt  }
0x4d: {  	_ =	shalt  }
0x4e: {  	_ =	shalt  }
0x4f: {  	_ =	shalt  }
0x50: {  	_ =	shalt  }
0x51: {  	_ =	shalt  }
0x52: {  	_ =	shalt  }
0x53: {  	_ =	shalt  }
0x54: {  	_ =	shalt  }
0x55: {  	_ =	shalt  }
0x56: {  	_ =	shalt  }
0x57: {  	_ =	shalt  }
0x58: {  	_ =	shalt  }
0x59: {  	_ =	shalt  }
0x5a: {  	_ =	shalt  }
0x5b: {  	_ =	shalt  }
0x5c: {  	_ =	shalt  }
0x5d: {  	_ =	shalt  }
0x5e: {  	_ =	shalt  }
0x5f: {  	_ =	shalt  }
0x60: {  	_ =	shalt  }
0x61: {  	_ =	shalt  }
0x62: {  	_ =	shalt  }
0x63: {  	_ =	shalt  }
0x64: {  	_ =	shalt  }
0x65: {  	_ =	shalt  }
0x66: {  	_ =	shalt  }
0x67: {  	_ =	shalt  }
0x68: {  	_ =	shalt  }
0x69: {  	_ =	shalt  }
0x6a: {  	_ =	shalt  }
0x6b: {  	_ =	shalt  }
0x6c: {  	_ =	shalt  }
0x6d: {  	_ =	shalt  }
0x6e: {  	_ =	shalt  }
0x6f: {  	_ =	shalt  }
0x70: {  	_ =	shalt  }
0x71: {  	_ =	shalt  }
0x72: {  	_ =	shalt  }
0x73: {  	_ =	shalt  }
0x74: {  	_ =	shalt  }
0x75: {  	_ =	shalt  }
0x76: {  	_ =	shalt  }
0x77: {  	_ =	shalt  }
0x78: {  	_ =	shalt  }
0x79: {  	_ =	shalt  }
0x7a: {  	_ =	shalt  }
0x7b: {  	_ =	shalt  }
0x7c: {  	_ =	shalt  }
0x7d: {  	_ =	shalt  }
0x7e: {  	_ =	shalt  }
0x7f: {  	_ =	shalt  }
0x80: {  	_ =	shalt  }
0x81: {  	_ =	shalt  }
0x82: {  	_ =	shalt  }
0x83: {  	_ =	shalt  }
0x84: {  	_ =	shalt  }
0x85: {  	_ =	shalt  }
0x86: {  	_ =	shalt  }
0x87: {  	_ =	shalt  }
.Lfunc_end0:
.L_simem_size_0:
called_computation_lowered:
.L_overlay_start_0:
0x88: {  	s2 =	sld [smem:$0x3FD9]  }
0x89: {  	s3 =	sld [smem:$0x3FFE];
	_ =	sdelay $0x1  }
0x8a: {  	s1 =	srdreg.scid  }
0x8b: {  	s0 =	sand.u32 $0x1, s1  }
0x8c: {  	s14 =	sshll.u32 s0, $0xA;
	s2 =	sadd.s32 s3, s2  }
0x8d: {  	s2 =	sadd.s32 s2, s14  }
0x8e: {  	[smem:$0x3FC5] =	sst s2  }
0x8f: {  	_ = 	snop  }
0x90: {  	s2 =	sld [smem:$0x3FD0];
	_ =	sdelay $0x2  }
0x91: {  	s15 =	simm.s32 $0xA;
	s4 =	simm.s32 $0x10  }
0x92: {  	[smem:s4], [sflag:s15] =	dma.local [hbm:s2], $0x1  }
0x93: {  	_ =	swait.eq [sflag:s15], $0x1  }
0x94: {  	[sflag:s15] =	ssyncset.done $0x0  }
0x95: {  	s16 =	sld [smem:$0x10];
	[sflag:s15] =	ssyncadd.s32 $0xFFFFFFFF  }
0x96: {  	s17 =	sld [smem:$0x11];
	(tm) =	ssettm $0x1  }
0x97: {  	s18 =	sld [smem:$0x3FFB];
	_ =	sdelay $0x3  }
0x98: {  	_ =	strace s18  }
0x99: {  	s4 =	sld [smem:$0x3FFC];
	_ =	sdelay $0x3  }
0x9a: {  	_ =	strace s4  }
0x9b: {  	s4 =	sld [smem:$0x3FFD];
	_ =	sdelay $0x3  }
0x9c: {  	_ =	strace s4  }
0x9d: {  	_ =	strace $0x8FFFFFFF  }
0x9e: {  	s19 =	sld [smem:$0x3FDB];
	_ =	sdelay $0x1  }
0x9f: {  	s5 =	simm.s32 $_scs_section_size  }
0xa0: {  	s6 =	simm.s32 $_size__tile_overlayer_lowered;
	s7 =	simm.s32 $_tile_overlayer_lowered  }
0xa1: {  	s22 =	simm.s32 $0x1BFF;
	s21 =	sshll.u32 s7, $0x1;
	s4 =	sadd.s32 s5, s19  }
0xa2: {  	s8 =	simm.s32 $0x0;
	s20 =	sshll.u32 s6, $0x1;
	s6 =	sadd.s32 s21, s4  }
0xa3: {  	[timem:s8], [sflag:s22] =	dma.local [hbm:s6], s20  }
0xa4: {  	_ =	swait.ge [sflag:s22], s20  }
0xa5: {  	s5 =	ssub.s32 $0x0, s20;
	[sflag:s22] =	ssyncset.done $0x0  }
0xa6: {  	[sflag:s22] =	ssyncadd.s32 s5;
	_ =	sdelay $0x1  }
0xa7: {  	s23 =	simm.s32 $0x1B8B  }
0xa8: {  	_ =	swait.ge [sflag:s23], $0x1  }
0xa9: {  	[sflag:s23] =	ssyncset.done $0x0  }
0xaa: {  	s25 =	simm.s32 $0x1B8E;
	s24 =	sld [smem:$0x3FFE];
	[sflag:s23] =	ssyncadd.s32 $0xFFFFFFFF  }
0xab: {  	s26 =	simm.s32 $execute0_lowered;
	[smem:$0x3FD2] =	sst s25  }
0xac: {  	s6 =	sshll.u32 s26, $0x1;
	_ =	strace $0x80000046;
	[dreg:$0x1] =	wrdreg $0xFFFFFFFF  }
0xad: {  	s28 =	simm.s32 $_size_execute0_lowered;
	s4 =	sadd.s32 s4, s6;
	[dreg:$0x0] =	wrdreg $0x0  }
0xae: {  	s6 =	sshll.u32 s28, $0x1;
	[dreg:$0x2] =	wrdreg s4  }
0xaf: {  	[dreg:$0x3] =	wrdreg s6  }
0xb0: {  	[dreg:$0x4] =	wrdreg $0xC0  }
0xb1: {  	_ =	task [dreg:s8], $0x5FFFF  }
0xb2: {  	[dreg:$0x1] =	wrdreg $0xFFFFFFFF  }
0xb3: {  	[dreg:$0x0] =	wrdreg $0x60  }
0xb4: {  	[dreg:$0x2] =	wrdreg s17  }
0xb5: {  	[dreg:$0x3] =	wrdreg s24  }
0xb6: {  	[dreg:$0x4] =	wrdreg s16  }
0xb7: {  	[dreg:$0x5] =	wrdreg $0x9  }
0xb8: {  	_ =	task.clear_ibuf [dreg:s8], $0x6FFFF;
	_ =	strace $0x90000046  }
0xb9: {  	s29 =	simm.s32 $0x9;
	_ =	strace $0x80000048  }
0xba: {  	_ =	swait.ge [sflag:s29], $0x1  }
0xbb: {  	[sflag:s29] =	ssyncadd.s32 $0xFFFFFFFF  }
0xbc: {  	_ =	strace $0x90000048  }
0xbd: {  	_ =	sfence  }
0xbe: {  	s30 =	sld [smem:$0x0];
	_ =	sdelay $0x2  }
0xbf: {  	s31 =	sshll.u32 s1, $0xD;
	s1 =	sshrl.u32 s1, $0x2  }
0xc0: {  	s3 =	sand.u32 $0x4000, s31;
	s1 =	sadd.s32 s1, s30  }
0xc1: {  	s0 =	sor.u32 s3, s0;
	s1 =	sshll.u32 s1, $0x11  }
0xc2: {  	s0 =	sor.u32 s1, s0  }
0xc3: {  	s0 =	sadd.s32 $0x8F2B, s0  }
0xc4: {  	[sflag:s0] =	ssyncadd.remote.s32 $0x1  }
0xc5: {  	_ =	sfence.sel $0xFFFF  }
0xc6: {  	[dreg:$0x0] =	wrdreg $0xFFFFFFFF;
	(pc) =	sbr.abs _section_cstart, $3  }
0xc7: {  	[dreg:$0x1] =	wrdreg $0xFFFFFFFF  }
0xc8: {  	_ =	task.clear_ibuf [dreg:s8], $0x2FFFF;
	_ =	strace $0x9FFFFFFF  }
0xc9: {  	(tm) =	ssettm $0x7FFFFFFF  }
tec
execute0_lowered:
.L_overlay_start_1:
0x0: {  	(tag) =	ssettag $0x1  }
0x1: {  	s2 =	rddreg [dreg:$0x0]  }
0x2: {  	s0 =	rddreg [dreg:$0x1]  }
0x3: {  	s3 =	rddreg [dreg:$0x2]  }
0x4: {  	s1 =	srdreg.scid;
	s4 =	stileid.u32  }
0x5: {  	s11 =	simm.s32 $0x2;
	s12 =	simm.s32 $0x800;
	s20 =	simm.s32 $0x4800  }
0x6: {  	s21 =	simm.s32 $0x5000;
	s22 =	simm.s32 $0x5800;
	s23 =	simm.s32 $0x6000  }
0x7: {  	s24 =	simm.s32 $0x6800;
	s25 =	simm.s32 $0x7000;
	s28 =	simm.s32 $0x8000  }
0x8: {  	s29 =	simm.s32 $0x8800;
	s30 =	simm.s32 $0x9000;
	s31 =	simm.s32 $0x9800  }
0x9: {  	s9 =	simm.s32 $0xB800;
	s10 =	simm.s32 $0xC000;
	s13 =	simm.s32 $0x1  }
0xa: {  	s16 =	simm.s32 $0x0;
	s1 =	sand.u32 $0x1, s1;
	s5 =	sshll.u32 s4, $0x1  }
0xb: {  	s4 =	simm.s32 $0x0;
	s8 =	sadd.s32 $0x200, s2;
	s5 =	sor.u32 s1, s5  }
0xc: {  	s1 =	ssub.s32 $0x2, s1;
	[smem:$0x7FF] =	sst s4;
	s6 =	sshll.u32 s5, $0x8  }
.Ltmp0:
0xd: {  	s7 =	sshrl.u32 s1, $0x1;
	_ =	strace $0x80000047;
	(pc) =	sbr.rel .LBB2_1-.Ltmp0, $4  }
0xe: {  	s5 =	sshll.u32 s5, $0x7;
	s0 =	sadd.s32 s6, s0;
	s1 =	ssub.s32 s1, s7  }
0xf: {  	v2 =	vlaneseq.u32;
	s7 =	sadd.s32 $0x100, s2;
	s6 =	simm.s32 $0xB000;
	s0 =	sadd.s32 $0x600, s0  }
0x10: {  	vm0 =	vmmov $0xffff;
	v1 =	vshrl.u32 v2, $0x3;
	s26 =	smax.u32 s1, $0x1;
	s1 =	simm.s32 $0xA800;
	[dreg:$0x4] =	wrdreg s0  }
0x11: {  	v0 =	vand.u32 $0x7, v2;
	v2 =	vor.u32 $0x8, v2;
	v1 =	vmul.u32 $0x8, v1;
	[dreg:$0x5] =	wrdreg s26;
	s26 =	simm.s32 $0x7800;
	s0 =	simm.s32 $0xA000  }
.LBB2_12:
0x12: {  	[sflag:s11] =	ssyncadd.s32 $0xFFFF4000;
	s16 =	rddreg [dreg:$0x6]  }
.LBB2_13:
0x13: {  	s16 =	sadd.s32 $0x1, s16;
	s14 =	rddreg [dreg:$0x5]  }
0x14: {  	p0 =	sne.s32 s16, s14  }
.Ltmp1:
0x15: {  	_ = 	snop;
	(pc) =	sbr.rel @!p0 .LBB2_14-.Ltmp1, $1  }
0x16: {  	_ =	sdelay $0x3  }
.LBB2_1:
0x17: {  	[dreg:$0x6] =	wrdreg s16  }
.Ltmp2:
0x18: {  	s14 =	rddreg [dreg:$0x4];
	s19 =	simm.s32 $0x3;
	(pc) =	sbr.rel .LBB2_2-.Ltmp2, $4  }
0x19: {  	[tilespmem:s4], [sflag:$0x3] =	stream.linear.gather [hbm4b:s14+s4], $0x800, $0x38;
	[tilespmem:$0xC800] =	vst v63  }
0x1a: {  	_ =	swait.ge [sflag:s19], $0x800  }
0x1b: {  	s18 =	simm.s32 $0xFFFFFFFF;
	[sflag:s19] =	ssyncset.done $0x0  }
0x1c: {  	s15 =	simm.s32 $0x0;
	s16 =	simm.s32 $0x0;
	[sflag:s19] =	ssyncadd.s32 $0xFFFFF800  }
.LBB2_6:
0x1d: {  	[sflag:s11] =	ssyncadd.s32 $0xFFFF4000  }
.LBB2_7:
0x1e: {  	v4 =	vshrl.u32 v3, $0x3  }
0x1f: {  	v4 =	vmul.u32 $0x30, v4  }
0x20: {  	v3 =	vand.u32 $0x7, v3  }
0x21: {  	v3 =	vor.u32 v3, v4  }
0x22: {  	v4 =	vperm.xlane v3, v0;
	_ =	sdelay $0x1  }
0x23: {  	v4 =	vadd.s32 v1, v4;
	_ =	sdelay $0x3  }
0x24: {  	v3 =	vperm.xlane v3, v2  }
0x25: {  	[tilespmem:s12], [sflag:$0x1] =	stream.indirect_vreg.gather [hbm4b:s2+s4], $0x80, v4, vm0, $0xb8;
	[tilespmem:$0xC800] =	vst v63  }
0x26: {  	s18 =	simm.s32 $0x1000;
	v3 =	vadd.s32 v1, v3  }
0x27: {  	[tilespmem:s18], [sflag:$0x1] =	stream.indirect_vreg.gather [hbm4b:s7+s4], $0x80, v4, vm0, $0xb8;
	[tilespmem:$0xC800] =	vst v63  }
0x28: {  	s19 =	simm.s32 $0x1800  }
0x29: {  	[tilespmem:s19], [sflag:$0x1] =	stream.indirect_vreg.gather [hbm4b:s8+s4], $0x80, v4, vm0, $0xb8;
	[tilespmem:$0xC800] =	vst v63  }
0x2a: {  	s19 =	simm.s32 $0x2000  }
0x2b: {  	[tilespmem:s19], [sflag:$0x1] =	stream.indirect_vreg.gather [hbm4b:s2+s4], $0x80, v3, vm0, $0xb8;
	[tilespmem:$0xC800] =	vst v63  }
0x2c: {  	s19 =	simm.s32 $0x2800  }
0x2d: {  	[tilespmem:s19], [sflag:$0x1] =	stream.indirect_vreg.gather [hbm4b:s7+s4], $0x80, v3, vm0, $0xb8;
	[tilespmem:$0xC800] =	vst v63  }
0x2e: {  	s19 =	simm.s32 $0x3000  }
0x2f: {  	[tilespmem:s19], [sflag:$0x1] =	stream.indirect_vreg.gather [hbm4b:s8+s4], $0x80, v3, vm0, $0xb8;
	[tilespmem:$0xC800] =	vst v63  }
0x30: {  	v3 =	vld [tilespmem:s17+$0x10];
	_ =	sdelay $0x4  }
0x31: {  	v61 =	vshrl.u32 v3, $0x3  }
0x32: {  	v4 =	vmul.u32 $0x30, v61  }
0x33: {  	v3 =	vand.u32 $0x7, v3  }
0x34: {  	v3 =	vor.u32 v3, v4  }
0x35: {  	v4 =	vperm.xlane v3, v0;
	_ =	sdelay $0x1  }
0x36: {  	v4 =	vadd.s32 v1, v4;
	_ =	sdelay $0x3  }
0x37: {  	s19 =	simm.s32 $0x3800;
	v3 =	vperm.xlane v3, v2  }
0x38: {  	[tilespmem:s19], [sflag:$0x1] =	stream.indirect_vreg.gather [hbm4b:s2+s4], $0x80, v4, vm0, $0xb8;
	[tilespmem:$0xC800] =	vst v63  }
0x39: {  	v3 =	vadd.s32 v1, v3;
	s19 =	simm.s32 $0x4000  }
0x3a: {  	[tilespmem:s19], [sflag:$0x1] =	stream.indirect_vreg.gather [hbm4b:s7+s4], $0x80, v4, vm0, $0xb8;
	[tilespmem:$0xC800] =	vst v63  }
0x3b: {  	_ = 	snop  }
0x3c: {  	[tilespmem:s20], [sflag:$0x1] =	stream.indirect_vreg.gather [hbm4b:s8+s4], $0x80, v4, vm0, $0xb8;
	[tilespmem:$0xC800] =	vst v63  }
0x3d: {  	_ = 	snop  }
0x3e: {  	[tilespmem:s21], [sflag:$0x1] =	stream.indirect_vreg.gather [hbm4b:s2+s4], $0x80, v3, vm0, $0xb8;
	[tilespmem:$0xC800] =	vst v63  }
0x3f: {  	_ = 	snop  }
0x40: {  	[tilespmem:s22], [sflag:$0x1] =	stream.indirect_vreg.gather [hbm4b:s7+s4], $0x80, v3, vm0, $0xb8;
	[tilespmem:$0xC800] =	vst v63  }
0x41: {  	_ = 	snop  }
0x42: {  	[tilespmem:s23], [sflag:$0x1] =	stream.indirect_vreg.gather [hbm4b:s8+s4], $0x80, v3, vm0, $0xb8;
	[tilespmem:$0xC800] =	vst v63  }
0x43: {  	v3 =	vld [tilespmem:s17+$0x20];
	_ =	sdelay $0x4  }
0x44: {  	v62 =	vshrl.u32 v3, $0x3  }
0x45: {  	v4 =	vmul.u32 $0x30, v62  }
0x46: {  	v3 =	vand.u32 $0x7, v3  }
0x47: {  	v3 =	vor.u32 v3, v4  }
0x48: {  	v4 =	vperm.xlane v3, v0;
	_ =	sdelay $0x1  }
0x49: {  	v4 =	vadd.s32 v1, v4;
	_ =	sdelay $0x3  }
0x4a: {  	v3 =	vperm.xlane v3, v2  }
0x4b: {  	[tilespmem:s24], [sflag:$0x1] =	stream.indirect_vreg.gather [hbm4b:s2+s4], $0x80, v4, vm0, $0xb8;
	[tilespmem:$0xC800] =	vst v63  }
0x4c: {  	v3 =	vadd.s32 v1, v3  }
0x4d: {  	[tilespmem:s25], [sflag:$0x1] =	stream.indirect_vreg.gather [hbm4b:s7+s4], $0x80, v4, vm0, $0xb8;
	[tilespmem:$0xC800] =	vst v63  }
0x4e: {  	_ = 	snop  }
0x4f: {  	[tilespmem:s26], [sflag:$0x1] =	stream.indirect_vreg.gather [hbm4b:s8+s4], $0x80, v4, vm0, $0xb8;
	[tilespmem:$0xC800] =	vst v63  }
0x50: {  	_ = 	snop  }
0x51: {  	[tilespmem:s28], [sflag:$0x1] =	stream.indirect_vreg.gather [hbm4b:s2+s4], $0x80, v3, vm0, $0xb8;
	[tilespmem:$0xC800] =	vst v63  }
0x52: {  	_ = 	snop  }
0x53: {  	[tilespmem:s29], [sflag:$0x1] =	stream.indirect_vreg.gather [hbm4b:s7+s4], $0x80, v3, vm0, $0xb8;
	[tilespmem:$0xC800] =	vst v63  }
0x54: {  	_ = 	snop  }
0x55: {  	[tilespmem:s30], [sflag:$0x1] =	stream.indirect_vreg.gather [hbm4b:s8+s4], $0x80, v3, vm0, $0xb8;
	[tilespmem:$0xC800] =	vst v63  }
0x56: {  	v3 =	vld [tilespmem:s17+$0x30];
	_ =	sdelay $0x4  }
0x57: {  	v63 =	vshrl.u32 v3, $0x3  }
0x58: {  	v4 =	vmul.u32 $0x30, v63  }
0x59: {  	v3 =	vand.u32 $0x7, v3  }
0x5a: {  	v3 =	vor.u32 v3, v4  }
0x5b: {  	v4 =	vperm.xlane v3, v0;
	_ =	sdelay $0x1  }
0x5c: {  	v4 =	vadd.s32 v1, v4;
	_ =	sdelay $0x3  }
0x5d: {  	v3 =	vperm.xlane v3, v2  }
0x5e: {  	[tilespmem:s31], [sflag:$0x1] =	stream.indirect_vreg.gather [hbm4b:s2+s4], $0x80, v4, vm0, $0xb8;
	[tilespmem:$0xC800] =	vst v63  }
0x5f: {  	v3 =	vadd.s32 v1, v3  }
0x60: {  	[tilespmem:s0], [sflag:$0x1] =	stream.indirect_vreg.gather [hbm4b:s7+s4], $0x80, v4, vm0, $0xb8;
	[tilespmem:$0xC800] =	vst v63  }
0x61: {  	_ = 	snop  }
0x62: {  	[tilespmem:s1], [sflag:$0x1] =	stream.indirect_vreg.gather [hbm4b:s8+s4], $0x80, v4, vm0, $0xb8;
	[tilespmem:$0xC800] =	vst v63  }
0x63: {  	_ = 	snop  }
0x64: {  	[tilespmem:s6], [sflag:$0x1] =	stream.indirect_vreg.gather [hbm4b:s2+s4], $0x80, v3, vm0, $0xb8;
	[tilespmem:$0xC800] =	vst v63  }
0x65: {  	_ = 	snop  }
0x66: {  	[tilespmem:s9], [sflag:$0x1] =	stream.indirect_vreg.gather [hbm4b:s7+s4], $0x80, v3, vm0, $0xb8;
	[tilespmem:$0xC800] =	vst v63  }
0x67: {  	_ = 	snop  }
0x68: {  	[tilespmem:s10], [sflag:$0x1] =	stream.indirect_vreg.gather [hbm4b:s8+s4], $0x80, v3, vm0, $0xb8;
	[tilespmem:$0xC800] =	vst v63  }
0x69: {  	_ =	swait.ge [sflag:s13], $0xC000  }
0x6a: {  	[sflag:s13] =	ssyncset.done $0x0  }
0x6b: {  	[sflag:s13] =	ssyncadd.s32 $0xFFFF4000  }
.LBB2_8:
0x6c: {  	s17 =	sshll.u32 s16, $0x3;
	s16 =	sadd.s32 $0x1, s16  }
0x6d: {  	s14 =	simm.s32 @p1 $0xFFFFFFFF;
	p1 =	seq.s32 s16, $0x10  }
.Ltmp3:
0x6e: {  	s17 =	sadd.s32 s5, s17;
	(pc) =	sbr.rel @p1 .LBB2_9-.Ltmp3, $4  }
0x6f: {  	s17 =	smul.u32 $0x300, s17  }
0x70: {  	s15 =	sadd.s32 $0x1, s15  }
0x71: {  	s15 =	simm.s32 @p0 $0x1;
	s18 =	smov.u32 s14;
	s17 =	sadd.s32 s3, s17  }
0x72: {  	[hbm4b:s17+s4] =	stream.linear.scatter [tilespmem:s12], [sflag:$0x2], $0xC000, $0x38;
	[tilespmem:$0xC800] =	vst v63  }
.LBB2_2:
0x73: {  	s14 =	sshll.u32 s16, $0x7  }
0x74: {  	s17 =	sand.u32 $0x3FFFFF80, s14  }
0x75: {  	v3 =	vld [tilespmem:s17+$0x0]  }
0x76: {  	v4 =	vld [tilespmem:s17+$0x30];
	_ =	sdelay $0x3  }
0x77: {  	(v2sf) =	vpush v3, $0x0  }
0x78: {  	(v2sf) =	vpush v4, $0xF;
	_ =	sdelay $0xd  }
0x79: {  	s19 =	spop (v2sf)  }
0x7a: {  	s14 =	spop (v2sf)  }
0x7b: {  	p1 =	sne.s32 s19, s14;
	p0 =	sne.s32 s14, s18  }
0x7c: {  	p0 =	por p1, p0  }
.Ltmp4:
0x7d: {  	_ = 	snop;
	(pc) =	sbr.rel @!p0 .LBB2_8-.Ltmp4, $1  }
0x7e: {  	_ =	sdelay $0x3  }
0x7f: {  	p2 =	slt.s32 s15, $0x1  }
.Ltmp5:
0x80: {  	_ = 	snop;
	(pc) =	sbr.rel @p2 .LBB2_7-.Ltmp5, $1  }
0x81: {  	_ =	sdelay $0x3  }
0x82: {  	p2 =	sne.s32 s15, $0x1  }
.Ltmp6:
0x83: {  	_ = 	snop;
	(pc) =	sbr.rel @!p2 .LBB2_6-.Ltmp6, $3  }
0x84: {  	_ =	sdelay $0x1  }
0x85: {  	_ =	swait.ge [sflag:s11], $0xC000  }
0x86: {  	s18 =	sadd.s32 $0xFFFFFFFF, s15;
	[sflag:s11] =	ssyncset.done $0x0  }
.LBB2_5:
0x87: {  	p2 =	sne.s32 s18, $0x1;
	s18 =	sadd.s32 $0xFFFFFFFF, s18;
	[sflag:s11] =	ssyncadd.s32 $0xFFFF4000  }
.Ltmp7:
0x88: {  	(pc) =	sbr.rel @p2 .LBB2_5-.Ltmp7, $3  }
0x89: {  	_ =	sdelay $0x1  }
0x8a: {  	_ =	swait.ge [sflag:s11], $0xC000  }
0x8b: {  	[sflag:s11] =	ssyncset.done $0x0  }
.Ltmp8:
0x8c: {  	_ = 	snop;
	(pc) =	sbr.rel .LBB2_6-.Ltmp8, $1  }
0x8d: {  	_ =	sdelay $0x3  }
.LBB2_9:
0x8e: {  	p0 =	sgt.s32 s15, $0x0  }
.Ltmp9:
0x8f: {  	_ = 	snop;
	(pc) =	sbr.rel @!p0 .LBB2_13-.Ltmp9, $2  }
0x90: {  	_ =	sdelay $0x2  }
0x91: {  	s16 =	rddreg [dreg:$0x6]  }
0x92: {  	p0 =	sne.s32 s15, $0x1  }
.Ltmp10:
0x93: {  	_ = 	snop;
	(pc) =	sbr.rel @!p0 .LBB2_12-.Ltmp10, $3  }
0x94: {  	_ =	sdelay $0x1  }
0x95: {  	_ =	swait.ge [sflag:s11], $0xC000  }
0x96: {  	s14 =	sadd.s32 $0xFFFFFFFF, s15;
	[sflag:s11] =	ssyncset.done $0x0  }
.LBB2_11:
0x97: {  	p0 =	sne.s32 s14, $0x1;
	s14 =	sadd.s32 $0xFFFFFFFF, s14;
	[sflag:s11] =	ssyncadd.s32 $0xFFFF4000  }
.Ltmp11:
0x98: {  	(pc) =	sbr.rel @p0 .LBB2_11-.Ltmp11, $3  }
0x99: {  	_ =	sdelay $0x1  }
0x9a: {  	_ =	swait.ge [sflag:s11], $0xC000  }
0x9b: {  	[sflag:s11] =	ssyncset.done $0x0  }
.Ltmp12:
0x9c: {  	_ = 	snop;
	(pc) =	sbr.rel .LBB2_12-.Ltmp12, $1  }
0x9d: {  	_ =	sdelay $0x3  }
.LBB2_14:
0x9e: {  	_ =	sfence.sel $0x180000  }
0x9f: {  	[bflag:$0x0] =	sbarrier.arrive $0xFFFF  }
0xa0: {  	_ =	strace $0x90000047  }
0xa1: {  	s0 =	stileid.u32;
	[bflag:$0x2] =	sbarrier.arrive $0xFFFF  }
0xa2: {  	p0 =	sne.s32 s0, $0x0;
	s0 =	rddreg [dreg:$0x3]  }
0xa3: {  	s0 =	sadd.s32 @!p0 $0x100000, s0  }
0xa4: {  	[sflag:s0] =	ssyncadd.tile.s32 @!p0 $0x1;
	_ =	shalt  }
.Lfunc_end2:
_tile_overlayer_lowered:
.L_overlay_start_2:
0xa5: {  	(tag) =	ssettag $0x2  }
0xa6: {  	s0 =	rddreg [dreg:$0x0];
	s2 =	stileid.u32  }
0xa7: {  	s1 =	rddreg [dreg:$0x1];
	p0 =	sne.s32 s2, $0x0  }
0xa8: {  	s3 =	rddreg [dreg:$0x2];
	[bflag:$0x3] =	sbarrier.arrive $0xFFFF;
	s2 =	simm.s32 @!p0 $0x1C03  }
0xa9: {  	[timem:s3], [sflag:s2] =	dma.local @!p0 [hbm:s0], s1  }
0xaa: {  	s0 =	simm.s32 @!p0 $0x3  }
0xab: {  	_ =	swait.ge @!p0 [sflag:s0], s1  }
0xac: {  	s1 =	ssub.s32 @!p0 $0x0, s1;
	[sflag:s0] =	ssyncset.done @!p0 $0x0  }
0xad: {  	[sflag:s0] =	ssyncadd.s32 @!p0 s1  }
0xae: {  	[bflag:$0x3] =	sbarrier.arrive $0xFFFF  }
0xaf: {  	_ =	shalt  }

</sc_bundles>
